<compile_context>
chip_gen: v7x
topology: tpu7x:2x2x1
jax: 0.10.2.dev20260603
libtpu: 0.0.44.dev20260713+nightly
codegen_flags: <defaults>
</compile_context>

<pallas_src>
import functools

import jax
import jax.numpy as jnp
from jax import lax
from jax.experimental import pallas as pl
from jax.experimental.pallas import tpu as pltpu
from jax.experimental.pallas import tpu_sc as plsc

N = 10000
NP = 10240
E = 320000
DUMMY = N
NT = 16
EPT = 20480
EP = NT * EPT
RPT = NP // NT
TCB = 1024
WA = 144
ONE_COL = 128
LDIMS = [(128, 85), (85, 56), (56, 28), (28, 1)]


@functools.cache
def _make_sc_horner():
  mesh = plsc.VectorSubcoreMesh(core_axis_name="c", subcore_axis_name="s")

  @functools.partial(
      pl.kernel,
      mesh=mesh,
      compiler_params=pltpu.CompilerParams(use_tc_tiling_on_sc=False,
                                           needs_layout_passes=False),
      out_type=jax.ShapeDtypeStruct((NP,), jnp.float32),
      scratch_types=[
          pltpu.VMEM((NP,), jnp.float32),
          pltpu.VMEM((EPT,), jnp.int32),
          pltpu.VMEM((EPT,), jnp.int32),
          pltpu.VMEM((NP,), jnp.float32),
          pltpu.VMEM((NP,), jnp.float32),
          pltpu.VMEM((16, RPT), jnp.float32),
          pltpu.VMEM((RPT,), jnp.float32),
          pltpu.VMEM((RPT,), jnp.float32),
          pltpu.VMEM((4, RPT), jnp.float32),
          pltpu.VMEM_SHARED((16, NP), jnp.float32),
          pltpu.VMEM_SHARED((NP,), jnp.float32),
      ],
  )
  def sc_horner(y4_hbm, z3_hbm, z2_hbm, z1_hbm, z0_hbm, src_hbm, dst_hbm,
                out, pval_v, src_v, dst_v, acc_v, cnt_v, tmp_v, inv_v,
                ynew_v, z_v, sh_part, sh_y):
    c = lax.axis_index("c")
    s = lax.axis_index("s")
    r0 = s * RPT

    @pl.when(c == 0)
    def _body():
      pltpu.sync_copy(y4_hbm, pval_v)
      pltpu.sync_copy(src_hbm.at[s], src_v)
      pltpu.sync_copy(dst_hbm.at[s], dst_v)
      for j, z_hbm in enumerate((z3_hbm, z2_hbm, z1_hbm, z0_hbm)):
        pltpu.sync_copy(z_hbm.at[pl.ds(r0, RPT)], z_v.at[j])

      zeros16 = jnp.zeros((16,), jnp.float32)
      ones16 = jnp.ones((16,), jnp.float32)

      for step, k in enumerate((3, 2, 1, 0)):
        first = step == 0

        def zbody(i, carry):
          for u in range(4):
            acc_v[pl.ds(64 * i + 16 * u, 16)] = zeros16
          return carry

        lax.fori_loop(0, NP // 64, zbody, 0)
        if first:

          def czbody(i, carry):
            for u in range(4):
              cnt_v[pl.ds(64 * i + 16 * u, 16)] = zeros16
            return carry

          lax.fori_loop(0, NP // 64, czbody, 0)

        def ebody(e, carry):
          for u in range(4):
            o = 64 * e + 16 * u
            si = src_v[pl.ds(o, 16)]
            di = dst_v[pl.ds(o, 16)]
            vals = plsc.load_gather(pval_v, [si])
            plsc.addupdate_scatter(acc_v, [di], vals)
            if first:
              plsc.addupdate_scatter(cnt_v, [di], ones16)
          return carry

        lax.fori_loop(0, EPT // 64, ebody, 0)

        pltpu.sync_copy(acc_v, sh_part.at[s])
        plsc.subcore_barrier()
        pltpu.sync_copy(sh_part.at[:, pl.ds(r0, RPT)], tmp_v)

        if first:
          def sbody(i, carry):
            tot = tmp_v[0, pl.ds(16 * i, 16)]
            for t in range(1, 16):
              tot = tot + tmp_v[t, pl.ds(16 * i, 16)]
            ynew_v[pl.ds(16 * i, 16)] = tot
            return carry

          lax.fori_loop(0, RPT // 16, sbody, 0)
          plsc.subcore_barrier()
          pltpu.sync_copy(cnt_v, sh_part.at[s])
          plsc.subcore_barrier()
          pltpu.sync_copy(sh_part.at[:, pl.ds(r0, RPT)], tmp_v)

          def ibody(i, carry):
            tot = tmp_v[0, pl.ds(16 * i, 16)]
            for t in range(1, 16):
              tot = tot + tmp_v[t, pl.ds(16 * i, 16)]
            inv_v[pl.ds(16 * i, 16)] = 1.0 / jnp.maximum(tot, 1.0)
            ynew_v[pl.ds(16 * i, 16)] = (
                ynew_v[pl.ds(16 * i, 16)] * inv_v[pl.ds(16 * i, 16)]
                + z_v[0, pl.ds(16 * i, 16)])
            return carry

          lax.fori_loop(0, RPT // 16, ibody, 0)
        else:

          def rbody(i, carry):
            tot = tmp_v[0, pl.ds(16 * i, 16)]
            for t in range(1, 16):
              tot = tot + tmp_v[t, pl.ds(16 * i, 16)]
            ynew_v[pl.ds(16 * i, 16)] = (
                tot * inv_v[pl.ds(16 * i, 16)]
                + z_v[step, pl.ds(16 * i, 16)])
            return carry

          lax.fori_loop(0, RPT // 16, rbody, 0)

        if k > 0:
          pltpu.sync_copy(ynew_v, sh_y.at[pl.ds(r0, RPT)])
          plsc.subcore_barrier()
          pltpu.sync_copy(sh_y, pval_v)
        else:
          pltpu.sync_copy(ynew_v, out.at[pl.ds(r0, RPT)])

  return sc_horner


def _sc_horner_call(y4, z3, z2, z1, z0, src_t, dst_t):
  return _make_sc_horner()(y4, z3, z2, z1, z0, src_t, dst_t)


def _z_body(x_ref, eye_ref, b0, b1, b2, b3, c0, c1, c2, c3,
            y4_ref, z3_ref, z2_ref, z1_ref, z0_ref):
  bs = [b0[...], b1[...], b2[...], b3[...]]
  cs = [c0[...], c1[...], c2[...], c3[...]]
  ms = [eye_ref[...], None, None, None, None]
  for l in range(4):
    new = []
    for k in range(5):
      t = None
      if ms[k] is not None:
        t = jnp.dot(ms[k], cs[l], preferred_element_type=jnp.float32)
      if k > 0 and ms[k - 1] is not None:
        tb = jnp.dot(ms[k - 1], bs[l], preferred_element_type=jnp.float32)
        t = tb if t is None else t + tb
      new.append(t)
    ms = new
  mpack = jnp.concatenate([m[:, 0:1] for m in ms], axis=1)
  z = (jnp.dot(x_ref[...], mpack[:128, :],
               preferred_element_type=jnp.float32)
       + mpack[ONE_COL:ONE_COL + 1, :])
  pad = jnp.zeros((NP - N,), jnp.float32)
  for j, ref in enumerate((z0_ref, z1_ref, z2_ref, z3_ref, y4_ref)):
    ref[...] = jnp.concatenate([z[:, j], pad])


def _z_call(x, eye, bs, cs):
  wspec = pl.BlockSpec((WA, WA), lambda: (0, 0))
  return pl.pallas_call(
      _z_body,
      in_specs=[pl.BlockSpec((N, 128), lambda: (0, 0))] + [wspec] * 9,
      out_specs=[pl.BlockSpec((NP,), lambda: (0,))] * 5,
      out_shape=[jax.ShapeDtypeStruct((NP,), jnp.float32)] * 5,
  )(x, eye, *bs, *cs)


def kernel(x, edge_index, Wl0, bl0, Wr0, Wl1, bl1, Wr1, Wl2, bl2, Wr2,
           Wl3, bl3, Wr3):
  f32 = jnp.float32
  ei = edge_index.astype(jnp.int32)
  pad_idx = jnp.full((EP - E,), DUMMY, jnp.int32)
  src_t = jnp.concatenate([ei[0], pad_idx]).reshape(NT, EPT)
  dst_t = jnp.concatenate([ei[1], pad_idx]).reshape(NT, EPT)

  wls = [Wl0, Wl1, Wl2, Wl3]
  bls = [bl0, bl1, bl2, bl3]
  wrs = [Wr0, Wr1, Wr2, Wr3]
  bs, cs = [], []
  for l, (din, dout) in enumerate(LDIMS):
    bs.append(jnp.zeros((WA, WA), f32).at[:din, :dout].set(wls[l].T))
    cs.append(
        jnp.zeros((WA, WA), f32)
        .at[:din, :dout].set(wrs[l].T)
        .at[ONE_COL, :dout].set(bls[l])
        .at[ONE_COL, ONE_COL].set(1.0)
    )
  eye = jnp.eye(WA, dtype=f32)

  y4, z3, z2, z1, z0 = _z_call(x, eye, bs, cs)
  y = _sc_horner_call(y4, z3, z2, z1, z0, src_t, dst_t)
  return y[:N].reshape(N, 1)

# --- scband reference (transcript-rebuilt; emitter-appended) ---
"""Pipeline reference for scband-sage-cox-6425271074972 (READ-ONLY COPY).

The authoritative reference and input builder live on the scoring server;
editing this copy changes nothing except your own understanding.
"""

import jax, jax.numpy as jnp
import numpy as np

N_NODES = 10000
N_EDGES = 320000
D_IN = 128
# layer dims per SageCox num_layers=4: n1=int(128*2/3)=85, n2=int(85*2/3)=56, n3=int(56/2)=28, out=1
DIMS = [(128, 85), (85, 56), (56, 28), (28, 1)]


def setup_inputs(seed: int = 0) -> dict:
    key = jax.random.key(seed)
    ks = jax.random.split(key, 2 + 3 * len(DIMS))
    inp = {}
    inp["x"] = jax.random.normal(ks[0], (N_NODES, D_IN), dtype=jnp.float32)
    inp["edge_index"] = jax.random.randint(ks[1], (2, N_EDGES), 0, N_NODES, dtype=jnp.int64)
    for i, (din, dout) in enumerate(DIMS):
        scale = 1.0 / np.sqrt(din)
        inp[f"Wl{i}"] = jax.random.normal(ks[2 + 3 * i], (dout, din), dtype=jnp.float32) * scale
        inp[f"bl{i}"] = jnp.zeros((dout,), dtype=jnp.float32)
        inp[f"Wr{i}"] = jax.random.normal(ks[3 + 3 * i], (dout, din), dtype=jnp.float32) * scale
    return inp


def _sage_conv(x, src, dst, Wl, bl, Wr):
    # PyG SAGEConv with mean aggregation: out = lin_l(mean_{j in N(i)} x_j) + lin_r(x_i)
    msgs = jnp.take(x, src, axis=0)
    sums = jax.ops.segment_sum(msgs, dst, num_segments=N_NODES)
    counts = jax.ops.segment_sum(jnp.ones((src.shape[0], 1), dtype=x.dtype), dst, num_segments=N_NODES)
    aggr = sums / jnp.maximum(counts, 1.0)
    return aggr @ Wl.T + bl + x @ Wr.T


def reference(x, edge_index, Wl0, bl0, Wr0, Wl1, bl1, Wr1, Wl2, bl2, Wr2, Wl3, bl3, Wr3):
    src = edge_index[0]
    dst = edge_index[1]
    params = [(Wl0, bl0, Wr0), (Wl1, bl1, Wr1), (Wl2, bl2, Wr2), (Wl3, bl3, Wr3)]
    h = x
    for (Wl, bl, Wr) in params:
        h = _sage_conv(h, src, dst, Wl, bl, Wr)
    return h

if __name__ == "__main__":
    import jax
    _d = setup_inputs()
    print(jax.jit(kernel)(*tuple(_d.values())))

</pallas_src>

<mosaic_0001>
#map = affine_map<(d0, d1) -> (0)>
#map1 = affine_map<(d0, d1) -> (0, 0)>
module attributes {stable_mosaic.version = 14 : i64} {
  func.func @sc_horner(%arg0: i32, %arg1: i32, %arg2: memref<10240xf32, #tpu.memory_space<hbm>>, %arg3: memref<10240xf32, #tpu.memory_space<hbm>>, %arg4: memref<10240xf32, #tpu.memory_space<hbm>>, %arg5: memref<10240xf32, #tpu.memory_space<hbm>>, %arg6: memref<10240xf32, #tpu.memory_space<hbm>>, %arg7: memref<16x20480xi32, #tpu.memory_space<hbm>>, %arg8: memref<16x20480xi32, #tpu.memory_space<hbm>>, %arg9: memref<10240xf32, #tpu.memory_space<hbm>>, %arg10: memref<10240xf32, #tpu.memory_space<vmem>>, %arg11: memref<20480xi32, #tpu.memory_space<vmem>>, %arg12: memref<20480xi32, #tpu.memory_space<vmem>>, %arg13: memref<10240xf32, #tpu.memory_space<vmem>>, %arg14: memref<10240xf32, #tpu.memory_space<vmem>>, %arg15: memref<16x640xf32, #tpu.memory_space<vmem>>, %arg16: memref<640xf32, #tpu.memory_space<vmem>>, %arg17: memref<640xf32, #tpu.memory_space<vmem>>, %arg18: memref<4x640xf32, #tpu.memory_space<vmem>>, %arg19: memref<16x10240xf32, #tpu.memory_space<vmem_shared>>, %arg20: memref<10240xf32, #tpu.memory_space<vmem_shared>>) attributes {dimension_semantics = [#tpu.dimension_semantics<core_parallel>, #tpu.dimension_semantics<subcore_parallel>], iteration_bounds = array<i64: 2, 16>, scalar_prefetch = 0 : i64, scratch_operands = 11 : i64, tpu.core_type = #tpu.core_type<sc_vector_subcore>, window_params = [{transform_indices = #map}, {transform_indices = #map}, {transform_indices = #map}, {transform_indices = #map}, {transform_indices = #map}, {transform_indices = #map1}, {transform_indices = #map1}, {transform_indices = #map}]} {
    %mul3A = arith.constant 640 : i32
    %mul3A_0 = arith.muli %arg1, %mul3A : i32
    %eq3A = arith.constant 0 : i32
    %eq3A_1 = arith.cmpi eq, %arg0, %eq3A : i32
    %convert_element_type3A = arith.extui %eq3A_1 : i1 to i32
    %cond3A = arith.constant 0 : i32
    %cond3A_2 = arith.cmpi ne, %convert_element_type3A, %cond3A : i32
    scf.if %cond3A_2 {
      "tpu.region"() ({
        %run_scoped3A_100 = tpu.sem_alloc : memref<!tpu.dma_semaphore, #tpu.memory_space<semaphore_mem>>
        tpu.enqueue_dma source(%arg2 : memref<10240xf32, #tpu.memory_space<hbm>>) target(%arg10 : memref<10240xf32, #tpu.memory_space<vmem>>) target_semaphore(%run_scoped3A_100 : memref<!tpu.dma_semaphore, #tpu.memory_space<semaphore_mem>>)
        tpu.wait_dma2 semaphore(%run_scoped3A_100 : memref<!tpu.dma_semaphore, #tpu.memory_space<semaphore_mem>>) src(%arg2 : memref<10240xf32, #tpu.memory_space<hbm>>) dst(%arg10 : memref<10240xf32, #tpu.memory_space<vmem>>)
        tpu.yield
      }) : () -> ()
      "tpu.region"() ({
        %run_scoped3A_100 = tpu.sem_alloc : memref<!tpu.dma_semaphore, #tpu.memory_space<semaphore_mem>>
        %dma_start3A = arith.constant 0 : i32
        %dma_start3A_101 = tpu.memref_slice %arg7[%arg1, %dma_start3A] : memref<16x20480xi32, #tpu.memory_space<hbm>> -> memref<1x20480xi32, #tpu.memory_space<hbm>>
        %dma_start3A_102 = tpu.memref_squeeze %dma_start3A_101 : memref<1x20480xi32, #tpu.memory_space<hbm>> -> memref<20480xi32, #tpu.memory_space<hbm>>
        %dma_start3A_103 = arith.constant 0 : i32
        %dma_start3A_104 = tpu.memref_slice %arg7[%arg1, %dma_start3A_103] : memref<16x20480xi32, #tpu.memory_space<hbm>> -> memref<1x20480xi32, #tpu.memory_space<hbm>>
        %dma_start3A_105 = tpu.memref_squeeze %dma_start3A_104 : memref<1x20480xi32, #tpu.memory_space<hbm>> -> memref<20480xi32, #tpu.memory_space<hbm>>
        tpu.enqueue_dma source(%dma_start3A_105 : memref<20480xi32, #tpu.memory_space<hbm>>) target(%arg11 : memref<20480xi32, #tpu.memory_space<vmem>>) target_semaphore(%run_scoped3A_100 : memref<!tpu.dma_semaphore, #tpu.memory_space<semaphore_mem>>)
        %dma_wait3A = arith.constant 0 : i32
        %dma_wait3A_106 = tpu.memref_slice %arg7[%arg1, %dma_wait3A] : memref<16x20480xi32, #tpu.memory_space<hbm>> -> memref<1x20480xi32, #tpu.memory_space<hbm>>
        %dma_wait3A_107 = tpu.memref_squeeze %dma_wait3A_106 : memref<1x20480xi32, #tpu.memory_space<hbm>> -> memref<20480xi32, #tpu.memory_space<hbm>>
        %dma_wait3A_108 = arith.constant 0 : i32
        %dma_wait3A_109 = tpu.memref_slice %arg7[%arg1, %dma_wait3A_108] : memref<16x20480xi32, #tpu.memory_space<hbm>> -> memref<1x20480xi32, #tpu.memory_space<hbm>>
        %dma_wait3A_110 = tpu.memref_squeeze %dma_wait3A_109 : memref<1x20480xi32, #tpu.memory_space<hbm>> -> memref<20480xi32, #tpu.memory_space<hbm>>
        tpu.wait_dma2 semaphore(%run_scoped3A_100 : memref<!tpu.dma_semaphore, #tpu.memory_space<semaphore_mem>>) src(%dma_wait3A_110 : memref<20480xi32, #tpu.memory_space<hbm>>) dst(%arg11 : memref<20480xi32, #tpu.memory_space<vmem>>)
        tpu.yield
      }) : () -> ()
      "tpu.region"() ({
        %run_scoped3A_100 = tpu.sem_alloc : memref<!tpu.dma_semaphore, #tpu.memory_space<semaphore_mem>>
        %dma_start3A = arith.constant 0 : i32
        %dma_start3A_101 = tpu.memref_slice %arg8[%arg1, %dma_start3A] : memref<16x20480xi32, #tpu.memory_space<hbm>> -> memref<1x20480xi32, #tpu.memory_space<hbm>>
        %dma_start3A_102 = tpu.memref_squeeze %dma_start3A_101 : memref<1x20480xi32, #tpu.memory_space<hbm>> -> memref<20480xi32, #tpu.memory_space<hbm>>
        %dma_start3A_103 = arith.constant 0 : i32
        %dma_start3A_104 = tpu.memref_slice %arg8[%arg1, %dma_start3A_103] : memref<16x20480xi32, #tpu.memory_space<hbm>> -> memref<1x20480xi32, #tpu.memory_space<hbm>>
        %dma_start3A_105 = tpu.memref_squeeze %dma_start3A_104 : memref<1x20480xi32, #tpu.memory_space<hbm>> -> memref<20480xi32, #tpu.memory_space<hbm>>
        tpu.enqueue_dma source(%dma_start3A_105 : memref<20480xi32, #tpu.memory_space<hbm>>) target(%arg12 : memref<20480xi32, #tpu.memory_space<vmem>>) target_semaphore(%run_scoped3A_100 : memref<!tpu.dma_semaphore, #tpu.memory_space<semaphore_mem>>)
        %dma_wait3A = arith.constant 0 : i32
        %dma_wait3A_106 = tpu.memref_slice %arg8[%arg1, %dma_wait3A] : memref<16x20480xi32, #tpu.memory_space<hbm>> -> memref<1x20480xi32, #tpu.memory_space<hbm>>
        %dma_wait3A_107 = tpu.memref_squeeze %dma_wait3A_106 : memref<1x20480xi32, #tpu.memory_space<hbm>> -> memref<20480xi32, #tpu.memory_space<hbm>>
        %dma_wait3A_108 = arith.constant 0 : i32
        %dma_wait3A_109 = tpu.memref_slice %arg8[%arg1, %dma_wait3A_108] : memref<16x20480xi32, #tpu.memory_space<hbm>> -> memref<1x20480xi32, #tpu.memory_space<hbm>>
        %dma_wait3A_110 = tpu.memref_squeeze %dma_wait3A_109 : memref<1x20480xi32, #tpu.memory_space<hbm>> -> memref<20480xi32, #tpu.memory_space<hbm>>
        tpu.wait_dma2 semaphore(%run_scoped3A_100 : memref<!tpu.dma_semaphore, #tpu.memory_space<semaphore_mem>>) src(%dma_wait3A_110 : memref<20480xi32, #tpu.memory_space<hbm>>) dst(%arg12 : memref<20480xi32, #tpu.memory_space<vmem>>)
        tpu.yield
      }) : () -> ()
      %run_scoped3A = arith.constant 0 : i32
      "tpu.region"() ({
        %run_scoped3A_100 = tpu.sem_alloc : memref<!tpu.dma_semaphore, #tpu.memory_space<semaphore_mem>>
        %dma_start3A = arith.constant 0 : i32
        %dma_start3A_101 = tpu.memref_slice %arg18[%run_scoped3A, %dma_start3A] : memref<4x640xf32, #tpu.memory_space<vmem>> -> memref<1x640xf32, #tpu.memory_space<vmem>>
        %dma_start3A_102 = tpu.memref_squeeze %dma_start3A_101 : memref<1x640xf32, #tpu.memory_space<vmem>> -> memref<640xf32, #tpu.memory_space<vmem>>
        %dma_start3A_103 = tpu.memref_slice %arg3[%mul3A_0] : memref<10240xf32, #tpu.memory_space<hbm>> -> memref<640xf32, #tpu.memory_space<hbm>>
        %dma_start3A_104 = arith.constant 0 : i32
        %dma_start3A_105 = tpu.memref_slice %arg18[%run_scoped3A, %dma_start3A_104] : memref<4x640xf32, #tpu.memory_space<vmem>> -> memref<1x640xf32, #tpu.memory_space<vmem>>
        %dma_start3A_106 = tpu.memref_squeeze %dma_start3A_105 : memref<1x640xf32, #tpu.memory_space<vmem>> -> memref<640xf32, #tpu.memory_space<vmem>>
        %dma_start3A_107 = tpu.memref_slice %arg3[%mul3A_0] : memref<10240xf32, #tpu.memory_space<hbm>> -> memref<640xf32, #tpu.memory_space<hbm>>
        tpu.enqueue_dma source(%dma_start3A_107 : memref<640xf32, #tpu.memory_space<hbm>>) target(%dma_start3A_106 : memref<640xf32, #tpu.memory_space<vmem>>) target_semaphore(%run_scoped3A_100 : memref<!tpu.dma_semaphore, #tpu.memory_space<semaphore_mem>>)
        %dma_wait3A = arith.constant 0 : i32
        %dma_wait3A_108 = tpu.memref_slice %arg18[%run_scoped3A, %dma_wait3A] : memref<4x640xf32, #tpu.memory_space<vmem>> -> memref<1x640xf32, #tpu.memory_space<vmem>>
        %dma_wait3A_109 = tpu.memref_squeeze %dma_wait3A_108 : memref<1x640xf32, #tpu.memory_space<vmem>> -> memref<640xf32, #tpu.memory_space<vmem>>
        %dma_wait3A_110 = tpu.memref_slice %arg3[%mul3A_0] : memref<10240xf32, #tpu.memory_space<hbm>> -> memref<640xf32, #tpu.memory_space<hbm>>
        %dma_wait3A_111 = arith.constant 0 : i32
        %dma_wait3A_112 = tpu.memref_slice %arg18[%run_scoped3A, %dma_wait3A_111] : memref<4x640xf32, #tpu.memory_space<vmem>> -> memref<1x640xf32, #tpu.memory_space<vmem>>
        %dma_wait3A_113 = tpu.memref_squeeze %dma_wait3A_112 : memref<1x640xf32, #tpu.memory_space<vmem>> -> memref<640xf32, #tpu.memory_space<vmem>>
        %dma_wait3A_114 = tpu.memref_slice %arg3[%mul3A_0] : memref<10240xf32, #tpu.memory_space<hbm>> -> memref<640xf32, #tpu.memory_space<hbm>>
        tpu.wait_dma2 semaphore(%run_scoped3A_100 : memref<!tpu.dma_semaphore, #tpu.memory_space<semaphore_mem>>) src(%dma_wait3A_114 : memref<640xf32, #tpu.memory_space<hbm>>) dst(%dma_wait3A_113 : memref<640xf32, #tpu.memory_space<vmem>>)
        tpu.yield
      }) : () -> ()
      %run_scoped3A_3 = arith.constant 1 : i32
      "tpu.region"() ({
        %run_scoped3A_100 = tpu.sem_alloc : memref<!tpu.dma_semaphore, #tpu.memory_space<semaphore_mem>>
        %dma_start3A = arith.constant 0 : i32
        %dma_start3A_101 = tpu.memref_slice %arg18[%run_scoped3A_3, %dma_start3A] : memref<4x640xf32, #tpu.memory_space<vmem>> -> memref<1x640xf32, #tpu.memory_space<vmem>>
        %dma_start3A_102 = tpu.memref_squeeze %dma_start3A_101 : memref<1x640xf32, #tpu.memory_space<vmem>> -> memref<640xf32, #tpu.memory_space<vmem>>
        %dma_start3A_103 = tpu.memref_slice %arg4[%mul3A_0] : memref<10240xf32, #tpu.memory_space<hbm>> -> memref<640xf32, #tpu.memory_space<hbm>>
        %dma_start3A_104 = arith.constant 0 : i32
        %dma_start3A_105 = tpu.memref_slice %arg18[%run_scoped3A_3, %dma_start3A_104] : memref<4x640xf32, #tpu.memory_space<vmem>> -> memref<1x640xf32, #tpu.memory_space<vmem>>
        %dma_start3A_106 = tpu.memref_squeeze %dma_start3A_105 : memref<1x640xf32, #tpu.memory_space<vmem>> -> memref<640xf32, #tpu.memory_space<vmem>>
        %dma_start3A_107 = tpu.memref_slice %arg4[%mul3A_0] : memref<10240xf32, #tpu.memory_space<hbm>> -> memref<640xf32, #tpu.memory_space<hbm>>
        tpu.enqueue_dma source(%dma_start3A_107 : memref<640xf32, #tpu.memory_space<hbm>>) target(%dma_start3A_106 : memref<640xf32, #tpu.memory_space<vmem>>) target_semaphore(%run_scoped3A_100 : memref<!tpu.dma_semaphore, #tpu.memory_space<semaphore_mem>>)
        %dma_wait3A = arith.constant 0 : i32
        %dma_wait3A_108 = tpu.memref_slice %arg18[%run_scoped3A_3, %dma_wait3A] : memref<4x640xf32, #tpu.memory_space<vmem>> -> memref<1x640xf32, #tpu.memory_space<vmem>>
        %dma_wait3A_109 = tpu.memref_squeeze %dma_wait3A_108 : memref<1x640xf32, #tpu.memory_space<vmem>> -> memref<640xf32, #tpu.memory_space<vmem>>
        %dma_wait3A_110 = tpu.memref_slice %arg4[%mul3A_0] : memref<10240xf32, #tpu.memory_space<hbm>> -> memref<640xf32, #tpu.memory_space<hbm>>
        %dma_wait3A_111 = arith.constant 0 : i32
        %dma_wait3A_112 = tpu.memref_slice %arg18[%run_scoped3A_3, %dma_wait3A_111] : memref<4x640xf32, #tpu.memory_space<vmem>> -> memref<1x640xf32, #tpu.memory_space<vmem>>
        %dma_wait3A_113 = tpu.memref_squeeze %dma_wait3A_112 : memref<1x640xf32, #tpu.memory_space<vmem>> -> memref<640xf32, #tpu.memory_space<vmem>>
        %dma_wait3A_114 = tpu.memref_slice %arg4[%mul3A_0] : memref<10240xf32, #tpu.memory_space<hbm>> -> memref<640xf32, #tpu.memory_space<hbm>>
        tpu.wait_dma2 semaphore(%run_scoped3A_100 : memref<!tpu.dma_semaphore, #tpu.memory_space<semaphore_mem>>) src(%dma_wait3A_114 : memref<640xf32, #tpu.memory_space<hbm>>) dst(%dma_wait3A_113 : memref<640xf32, #tpu.memory_space<vmem>>)
        tpu.yield
      }) : () -> ()
      %run_scoped3A_4 = arith.constant 2 : i32
      "tpu.region"() ({
        %run_scoped3A_100 = tpu.sem_alloc : memref<!tpu.dma_semaphore, #tpu.memory_space<semaphore_mem>>
        %dma_start3A = arith.constant 0 : i32
        %dma_start3A_101 = tpu.memref_slice %arg18[%run_scoped3A_4, %dma_start3A] : memref<4x640xf32, #tpu.memory_space<vmem>> -> memref<1x640xf32, #tpu.memory_space<vmem>>
        %dma_start3A_102 = tpu.memref_squeeze %dma_start3A_101 : memref<1x640xf32, #tpu.memory_space<vmem>> -> memref<640xf32, #tpu.memory_space<vmem>>
        %dma_start3A_103 = tpu.memref_slice %arg5[%mul3A_0] : memref<10240xf32, #tpu.memory_space<hbm>> -> memref<640xf32, #tpu.memory_space<hbm>>
        %dma_start3A_104 = arith.constant 0 : i32
        %dma_start3A_105 = tpu.memref_slice %arg18[%run_scoped3A_4, %dma_start3A_104] : memref<4x640xf32, #tpu.memory_space<vmem>> -> memref<1x640xf32, #tpu.memory_space<vmem>>
        %dma_start3A_106 = tpu.memref_squeeze %dma_start3A_105 : memref<1x640xf32, #tpu.memory_space<vmem>> -> memref<640xf32, #tpu.memory_space<vmem>>
        %dma_start3A_107 = tpu.memref_slice %arg5[%mul3A_0] : memref<10240xf32, #tpu.memory_space<hbm>> -> memref<640xf32, #tpu.memory_space<hbm>>
        tpu.enqueue_dma source(%dma_start3A_107 : memref<640xf32, #tpu.memory_space<hbm>>) target(%dma_start3A_106 : memref<640xf32, #tpu.memory_space<vmem>>) target_semaphore(%run_scoped3A_100 : memref<!tpu.dma_semaphore, #tpu.memory_space<semaphore_mem>>)
        %dma_wait3A = arith.constant 0 : i32
        %dma_wait3A_108 = tpu.memref_slice %arg18[%run_scoped3A_4, %dma_wait3A] : memref<4x640xf32, #tpu.memory_space<vmem>> -> memref<1x640xf32, #tpu.memory_space<vmem>>
        %dma_wait3A_109 = tpu.memref_squeeze %dma_wait3A_108 : memref<1x640xf32, #tpu.memory_space<vmem>> -> memref<640xf32, #tpu.memory_space<vmem>>
        %dma_wait3A_110 = tpu.memref_slice %arg5[%mul3A_0] : memref<10240xf32, #tpu.memory_space<hbm>> -> memref<640xf32, #tpu.memory_space<hbm>>
        %dma_wait3A_111 = arith.constant 0 : i32
        %dma_wait3A_112 = tpu.memref_slice %arg18[%run_scoped3A_4, %dma_wait3A_111] : memref<4x640xf32, #tpu.memory_space<vmem>> -> memref<1x640xf32, #tpu.memory_space<vmem>>
        %dma_wait3A_113 = tpu.memref_squeeze %dma_wait3A_112 : memref<1x640xf32, #tpu.memory_space<vmem>> -> memref<640xf32, #tpu.memory_space<vmem>>
        %dma_wait3A_114 = tpu.memref_slice %arg5[%mul3A_0] : memref<10240xf32, #tpu.memory_space<hbm>> -> memref<640xf32, #tpu.memory_space<hbm>>
        tpu.wait_dma2 semaphore(%run_scoped3A_100 : memref<!tpu.dma_semaphore, #tpu.memory_space<semaphore_mem>>) src(%dma_wait3A_114 : memref<640xf32, #tpu.memory_space<hbm>>) dst(%dma_wait3A_113 : memref<640xf32, #tpu.memory_space<vmem>>)
        tpu.yield
      }) : () -> ()
      %run_scoped3A_5 = arith.constant 3 : i32
      "tpu.region"() ({
        %run_scoped3A_100 = tpu.sem_alloc : memref<!tpu.dma_semaphore, #tpu.memory_space<semaphore_mem>>
        %dma_start3A = arith.constant 0 : i32
        %dma_start3A_101 = tpu.memref_slice %arg18[%run_scoped3A_5, %dma_start3A] : memref<4x640xf32, #tpu.memory_space<vmem>> -> memref<1x640xf32, #tpu.memory_space<vmem>>
        %dma_start3A_102 = tpu.memref_squeeze %dma_start3A_101 : memref<1x640xf32, #tpu.memory_space<vmem>> -> memref<640xf32, #tpu.memory_space<vmem>>
        %dma_start3A_103 = tpu.memref_slice %arg6[%mul3A_0] : memref<10240xf32, #tpu.memory_space<hbm>> -> memref<640xf32, #tpu.memory_space<hbm>>
        %dma_start3A_104 = arith.constant 0 : i32
        %dma_start3A_105 = tpu.memref_slice %arg18[%run_scoped3A_5, %dma_start3A_104] : memref<4x640xf32, #tpu.memory_space<vmem>> -> memref<1x640xf32, #tpu.memory_space<vmem>>
        %dma_start3A_106 = tpu.memref_squeeze %dma_start3A_105 : memref<1x640xf32, #tpu.memory_space<vmem>> -> memref<640xf32, #tpu.memory_space<vmem>>
        %dma_start3A_107 = tpu.memref_slice %arg6[%mul3A_0] : memref<10240xf32, #tpu.memory_space<hbm>> -> memref<640xf32, #tpu.memory_space<hbm>>
        tpu.enqueue_dma source(%dma_start3A_107 : memref<640xf32, #tpu.memory_space<hbm>>) target(%dma_start3A_106 : memref<640xf32, #tpu.memory_space<vmem>>) target_semaphore(%run_scoped3A_100 : memref<!tpu.dma_semaphore, #tpu.memory_space<semaphore_mem>>)
        %dma_wait3A = arith.constant 0 : i32
        %dma_wait3A_108 = tpu.memref_slice %arg18[%run_scoped3A_5, %dma_wait3A] : memref<4x640xf32, #tpu.memory_space<vmem>> -> memref<1x640xf32, #tpu.memory_space<vmem>>
        %dma_wait3A_109 = tpu.memref_squeeze %dma_wait3A_108 : memref<1x640xf32, #tpu.memory_space<vmem>> -> memref<640xf32, #tpu.memory_space<vmem>>
        %dma_wait3A_110 = tpu.memref_slice %arg6[%mul3A_0] : memref<10240xf32, #tpu.memory_space<hbm>> -> memref<640xf32, #tpu.memory_space<hbm>>
        %dma_wait3A_111 = arith.constant 0 : i32
        %dma_wait3A_112 = tpu.memref_slice %arg18[%run_scoped3A_5, %dma_wait3A_111] : memref<4x640xf32, #tpu.memory_space<vmem>> -> memref<1x640xf32, #tpu.memory_space<vmem>>
        %dma_wait3A_113 = tpu.memref_squeeze %dma_wait3A_112 : memref<1x640xf32, #tpu.memory_space<vmem>> -> memref<640xf32, #tpu.memory_space<vmem>>
        %dma_wait3A_114 = tpu.memref_slice %arg6[%mul3A_0] : memref<10240xf32, #tpu.memory_space<hbm>> -> memref<640xf32, #tpu.memory_space<hbm>>
        tpu.wait_dma2 semaphore(%run_scoped3A_100 : memref<!tpu.dma_semaphore, #tpu.memory_space<semaphore_mem>>) src(%dma_wait3A_114 : memref<640xf32, #tpu.memory_space<hbm>>) dst(%dma_wait3A_113 : memref<640xf32, #tpu.memory_space<vmem>>)
        tpu.yield
      }) : () -> ()
      %broadcast_in_dim3A = arith.constant 0.000000e+00 : f32
      %broadcast_in_dim3A_6 = vector.broadcast %broadcast_in_dim3A : f32 to vector<16xf32>
      %broadcast_in_dim3A_7 = arith.constant 1.000000e+00 : f32
      %broadcast_in_dim3A_8 = vector.broadcast %broadcast_in_dim3A_7 : f32 to vector<16xf32>
      %scan3A = arith.constant 0 : i32
      %scan3A_9 = arith.constant 0 : i32
      %scan3A_10 = arith.constant 160 : i32
      %scan3A_11 = arith.addi %scan3A_9, %scan3A_10 : i32
      %scan3A_12 = arith.constant 1 : i32
      scf.for %scan3A_100 = %scan3A_9 to %scan3A_11 step %scan3A_12  : i32 {
        %mul3A_101 = arith.constant 64 : i32
        %mul3A_102 = arith.muli %mul3A_101, %scan3A_100 : i32
        %add3A = arith.constant 0 : i32
        %add3A_103 = arith.addi %mul3A_102, %add3A : i32
        %swap3A = arith.index_cast %add3A_103 : i32 to index
        %swap3A_104 = tpu.vector_load %arg13[%swap3A] {strides = array<i32>} : memref<10240xf32, #tpu.memory_space<vmem>>, vector<16xf32>,
        tpu.vector_store %arg13[%swap3A], %broadcast_in_dim3A_6 {strides = array<i32>} : memref<10240xf32, #tpu.memory_space<vmem>>, vector<16xf32>,
        %mul3A_105 = arith.constant 64 : i32
        %mul3A_106 = arith.muli %mul3A_105, %scan3A_100 : i32
        %add3A_107 = arith.constant 16 : i32
        %add3A_108 = arith.addi %mul3A_106, %add3A_107 : i32
        %swap3A_109 = arith.index_cast %add3A_108 : i32 to index
        %swap3A_110 = tpu.vector_load %arg13[%swap3A_109] {strides = array<i32>} : memref<10240xf32, #tpu.memory_space<vmem>>, vector<16xf32>,
        tpu.vector_store %arg13[%swap3A_109], %broadcast_in_dim3A_6 {strides = array<i32>} : memref<10240xf32, #tpu.memory_space<vmem>>, vector<16xf32>,
        %mul3A_111 = arith.constant 64 : i32
        %mul3A_112 = arith.muli %mul3A_111, %scan3A_100 : i32
        %add3A_113 = arith.constant 32 : i32
        %add3A_114 = arith.addi %mul3A_112, %add3A_113 : i32
        %swap3A_115 = arith.index_cast %add3A_114 : i32 to index
        %swap3A_116 = tpu.vector_load %arg13[%swap3A_115] {strides = array<i32>} : memref<10240xf32, #tpu.memory_space<vmem>>, vector<16xf32>,
        tpu.vector_store %arg13[%swap3A_115], %broadcast_in_dim3A_6 {strides = array<i32>} : memref<10240xf32, #tpu.memory_space<vmem>>, vector<16xf32>,
        %mul3A_117 = arith.constant 64 : i32
        %mul3A_118 = arith.muli %mul3A_117, %scan3A_100 : i32
        %add3A_119 = arith.constant 48 : i32
        %add3A_120 = arith.addi %mul3A_118, %add3A_119 : i32
        %swap3A_121 = arith.index_cast %add3A_120 : i32 to index
        %swap3A_122 = tpu.vector_load %arg13[%swap3A_121] {strides = array<i32>} : memref<10240xf32, #tpu.memory_space<vmem>>, vector<16xf32>,
        tpu.vector_store %arg13[%swap3A_121], %broadcast_in_dim3A_6 {strides = array<i32>} : memref<10240xf32, #tpu.memory_space<vmem>>, vector<16xf32>,
      }
      %scan3A_13 = arith.constant 160 : i32
      %scan3A_14 = arith.constant 0 : i32
      %scan3A_15 = arith.constant 0 : i32
      %scan3A_16 = arith.constant 160 : i32
      %scan3A_17 = arith.addi %scan3A_15, %scan3A_16 : i32
      %scan3A_18 = arith.constant 1 : i32
      scf.for %scan3A_100 = %scan3A_15 to %scan3A_17 step %scan3A_18  : i32 {
        %mul3A_101 = arith.constant 64 : i32
        %mul3A_102 = arith.muli %mul3A_101, %scan3A_100 : i32
        %add3A = arith.constant 0 : i32
        %add3A_103 = arith.addi %mul3A_102, %add3A : i32
        %swap3A = arith.index_cast %add3A_103 : i32 to index
        %swap3A_104 = tpu.vector_load %arg14[%swap3A] {strides = array<i32>} : memref<10240xf32, #tpu.memory_space<vmem>>, vector<16xf32>,
        tpu.vector_store %arg14[%swap3A], %broadcast_in_dim3A_6 {strides = array<i32>} : memref<10240xf32, #tpu.memory_space<vmem>>, vector<16xf32>,
        %mul3A_105 = arith.constant 64 : i32
        %mul3A_106 = arith.muli %mul3A_105, %scan3A_100 : i32
        %add3A_107 = arith.constant 16 : i32
        %add3A_108 = arith.addi %mul3A_106, %add3A_107 : i32
        %swap3A_109 = arith.index_cast %add3A_108 : i32 to index
        %swap3A_110 = tpu.vector_load %arg14[%swap3A_109] {strides = array<i32>} : memref<10240xf32, #tpu.memory_space<vmem>>, vector<16xf32>,
        tpu.vector_store %arg14[%swap3A_109], %broadcast_in_dim3A_6 {strides = array<i32>} : memref<10240xf32, #tpu.memory_space<vmem>>, vector<16xf32>,
        %mul3A_111 = arith.constant 64 : i32
        %mul3A_112 = arith.muli %mul3A_111, %scan3A_100 : i32
        %add3A_113 = arith.constant 32 : i32
        %add3A_114 = arith.addi %mul3A_112, %add3A_113 : i32
        %swap3A_115 = arith.index_cast %add3A_114 : i32 to index
        %swap3A_116 = tpu.vector_load %arg14[%swap3A_115] {strides = array<i32>} : memref<10240xf32, #tpu.memory_space<vmem>>, vector<16xf32>,
        tpu.vector_store %arg14[%swap3A_115], %broadcast_in_dim3A_6 {strides = array<i32>} : memref<10240xf32, #tpu.memory_space<vmem>>, vector<16xf32>,
        %mul3A_117 = arith.constant 64 : i32
        %mul3A_118 = arith.muli %mul3A_117, %scan3A_100 : i32
        %add3A_119 = arith.constant 48 : i32
        %add3A_120 = arith.addi %mul3A_118, %add3A_119 : i32
        %swap3A_121 = arith.index_cast %add3A_120 : i32 to index
        %swap3A_122 = tpu.vector_load %arg14[%swap3A_121] {strides = array<i32>} : memref<10240xf32, #tpu.memory_space<vmem>>, vector<16xf32>,
        tpu.vector_store %arg14[%swap3A_121], %broadcast_in_dim3A_6 {strides = array<i32>} : memref<10240xf32, #tpu.memory_space<vmem>>, vector<16xf32>,
      }
      %scan3A_19 = arith.constant 160 : i32
      %scan3A_20 = arith.constant 0 : i32
      %scan3A_21 = arith.constant 0 : i32
      %scan3A_22 = arith.constant 320 : i32
      %scan3A_23 = arith.addi %scan3A_21, %scan3A_22 : i32
      %scan3A_24 = arith.constant 1 : i32
      scf.for %scan3A_100 = %scan3A_21 to %scan3A_23 step %scan3A_24  : i32 {
        %mul3A_101 = arith.constant 64 : i32
        %mul3A_102 = arith.muli %mul3A_101, %scan3A_100 : i32
        %add3A = arith.constant 0 : i32
        %add3A_103 = arith.addi %mul3A_102, %add3A : i32
        %get3A = arith.index_cast %add3A_103 : i32 to index
        %get3A_104 = tpu.vector_load %arg11[%get3A] {strides = array<i32>} : memref<20480xi32, #tpu.memory_space<vmem>>, vector<16xi32>,
        %get3A_105 = arith.index_cast %add3A_103 : i32 to index
        %get3A_106 = tpu.vector_load %arg12[%get3A_105] {strides = array<i32>} : memref<20480xi32, #tpu.memory_space<vmem>>, vector<16xi32>,
        %gather3A = tpu.vector_load_idx %arg10[%get3A_104] : memref<10240xf32, #tpu.memory_space<vmem>>[vector<16xi32>], vector<16xf32>,
        tpu.vector_store_idx %arg13[%get3A_106], %gather3A {add = true} : memref<10240xf32, #tpu.memory_space<vmem>>[vector<16xi32>], vector<16xf32>,
        tpu.vector_store_idx %arg14[%get3A_106], %broadcast_in_dim3A_8 {add = true} : memref<10240xf32, #tpu.memory_space<vmem>>[vector<16xi32>], vector<16xf32>,
        %mul3A_107 = arith.constant 64 : i32
        %mul3A_108 = arith.muli %mul3A_107, %scan3A_100 : i32
        %add3A_109 = arith.constant 16 : i32
        %add3A_110 = arith.addi %mul3A_108, %add3A_109 : i32
        %get3A_111 = arith.index_cast %add3A_110 : i32 to index
        %get3A_112 = tpu.vector_load %arg11[%get3A_111] {strides = array<i32>} : memref<20480xi32, #tpu.memory_space<vmem>>, vector<16xi32>,
        %get3A_113 = arith.index_cast %add3A_110 : i32 to index
        %get3A_114 = tpu.vector_load %arg12[%get3A_113] {strides = array<i32>} : memref<20480xi32, #tpu.memory_space<vmem>>, vector<16xi32>,
        %gather3A_115 = tpu.vector_load_idx %arg10[%get3A_112] : memref<10240xf32, #tpu.memory_space<vmem>>[vector<16xi32>], vector<16xf32>,
        tpu.vector_store_idx %arg13[%get3A_114], %gather3A_115 {add = true} : memref<10240xf32, #tpu.memory_space<vmem>>[vector<16xi32>], vector<16xf32>,
        tpu.vector_store_idx %arg14[%get3A_114], %broadcast_in_dim3A_8 {add = true} : memref<10240xf32, #tpu.memory_space<vmem>>[vector<16xi32>], vector<16xf32>,
        %mul3A_116 = arith.constant 64 : i32
        %mul3A_117 = arith.muli %mul3A_116, %scan3A_100 : i32
        %add3A_118 = arith.constant 32 : i32
        %add3A_119 = arith.addi %mul3A_117, %add3A_118 : i32
        %get3A_120 = arith.index_cast %add3A_119 : i32 to index
        %get3A_121 = tpu.vector_load %arg11[%get3A_120] {strides = array<i32>} : memref<20480xi32, #tpu.memory_space<vmem>>, vector<16xi32>,
        %get3A_122 = arith.index_cast %add3A_119 : i32 to index
        %get3A_123 = tpu.vector_load %arg12[%get3A_122] {strides = array<i32>} : memref<20480xi32, #tpu.memory_space<vmem>>, vector<16xi32>,
        %gather3A_124 = tpu.vector_load_idx %arg10[%get3A_121] : memref<10240xf32, #tpu.memory_space<vmem>>[vector<16xi32>], vector<16xf32>,
        tpu.vector_store_idx %arg13[%get3A_123], %gather3A_124 {add = true} : memref<10240xf32, #tpu.memory_space<vmem>>[vector<16xi32>], vector<16xf32>,
        tpu.vector_store_idx %arg14[%get3A_123], %broadcast_in_dim3A_8 {add = true} : memref<10240xf32, #tpu.memory_space<vmem>>[vector<16xi32>], vector<16xf32>,
        %mul3A_125 = arith.constant 64 : i32
        %mul3A_126 = arith.muli %mul3A_125, %scan3A_100 : i32
        %add3A_127 = arith.constant 48 : i32
        %add3A_128 = arith.addi %mul3A_126, %add3A_127 : i32
        %get3A_129 = arith.index_cast %add3A_128 : i32 to index
        %get3A_130 = tpu.vector_load %arg11[%get3A_129] {strides = array<i32>} : memref<20480xi32, #tpu.memory_space<vmem>>, vector<16xi32>,
        %get3A_131 = arith.index_cast %add3A_128 : i32 to index
        %get3A_132 = tpu.vector_load %arg12[%get3A_131] {strides = array<i32>} : memref<20480xi32, #tpu.memory_space<vmem>>, vector<16xi32>,
        %gather3A_133 = tpu.vector_load_idx %arg10[%get3A_130] : memref<10240xf32, #tpu.memory_space<vmem>>[vector<16xi32>], vector<16xf32>,
        tpu.vector_store_idx %arg13[%get3A_132], %gather3A_133 {add = true} : memref<10240xf32, #tpu.memory_space<vmem>>[vector<16xi32>], vector<16xf32>,
        tpu.vector_store_idx %arg14[%get3A_132], %broadcast_in_dim3A_8 {add = true} : memref<10240xf32, #tpu.memory_space<vmem>>[vector<16xi32>], vector<16xf32>,
      }
      %scan3A_25 = arith.constant 320 : i32
      "tpu.region"() ({
        %run_scoped3A_100 = tpu.sem_alloc : memref<!tpu.dma_semaphore, #tpu.memory_space<semaphore_mem>>
        %dma_start3A = arith.constant 0 : i32
        %dma_start3A_101 = tpu.memref_slice %arg19[%arg1, %dma_start3A] : memref<16x10240xf32, #tpu.memory_space<vmem_shared>> -> memref<1x10240xf32, #tpu.memory_space<vmem_shared>>
        %dma_start3A_102 = tpu.memref_squeeze %dma_start3A_101 : memref<1x10240xf32, #tpu.memory_space<vmem_shared>> -> memref<10240xf32, #tpu.memory_space<vmem_shared>>
        %dma_start3A_103 = arith.constant 0 : i32
        %dma_start3A_104 = tpu.memref_slice %arg19[%arg1, %dma_start3A_103] : memref<16x10240xf32, #tpu.memory_space<vmem_shared>> -> memref<1x10240xf32, #tpu.memory_space<vmem_shared>>
        %dma_start3A_105 = tpu.memref_squeeze %dma_start3A_104 : memref<1x10240xf32, #tpu.memory_space<vmem_shared>> -> memref<10240xf32, #tpu.memory_space<vmem_shared>>
        tpu.enqueue_dma source(%arg13 : memref<10240xf32, #tpu.memory_space<vmem>>) target(%dma_start3A_105 : memref<10240xf32, #tpu.memory_space<vmem_shared>>) target_semaphore(%run_scoped3A_100 : memref<!tpu.dma_semaphore, #tpu.memory_space<semaphore_mem>>)
        %dma_wait3A = arith.constant 0 : i32
        %dma_wait3A_106 = tpu.memref_slice %arg19[%arg1, %dma_wait3A] : memref<16x10240xf32, #tpu.memory_space<vmem_shared>> -> memref<1x10240xf32, #tpu.memory_space<vmem_shared>>
        %dma_wait3A_107 = tpu.memref_squeeze %dma_wait3A_106 : memref<1x10240xf32, #tpu.memory_space<vmem_shared>> -> memref<10240xf32, #tpu.memory_space<vmem_shared>>
        %dma_wait3A_108 = arith.constant 0 : i32
        %dma_wait3A_109 = tpu.memref_slice %arg19[%arg1, %dma_wait3A_108] : memref<16x10240xf32, #tpu.memory_space<vmem_shared>> -> memref<1x10240xf32, #tpu.memory_space<vmem_shared>>
        %dma_wait3A_110 = tpu.memref_squeeze %dma_wait3A_109 : memref<1x10240xf32, #tpu.memory_space<vmem_shared>> -> memref<10240xf32, #tpu.memory_space<vmem_shared>>
        tpu.wait_dma2 semaphore(%run_scoped3A_100 : memref<!tpu.dma_semaphore, #tpu.memory_space<semaphore_mem>>) src(%arg13 : memref<10240xf32, #tpu.memory_space<vmem>>) dst(%dma_wait3A_110 : memref<10240xf32, #tpu.memory_space<vmem_shared>>)
        tpu.yield
      }) : () -> ()
      %barrier3A = arith.constant 0 : index
      tpu.barrier barrier_id(%barrier3A)
      "tpu.region"() ({
        %run_scoped3A_100 = tpu.sem_alloc : memref<!tpu.dma_semaphore, #tpu.memory_space<semaphore_mem>>
        %dma_start3A = arith.constant 0 : i32
        %dma_start3A_101 = tpu.memref_slice %arg19[%dma_start3A, %mul3A_0] : memref<16x10240xf32, #tpu.memory_space<vmem_shared>> -> memref<16x640xf32, #tpu.memory_space<vmem_shared>>
        %dma_start3A_102 = arith.constant 0 : i32
        %dma_start3A_103 = tpu.memref_slice %arg19[%dma_start3A_102, %mul3A_0] : memref<16x10240xf32, #tpu.memory_space<vmem_shared>> -> memref<16x640xf32, #tpu.memory_space<vmem_shared>>
        tpu.enqueue_dma source(%dma_start3A_103 : memref<16x640xf32, #tpu.memory_space<vmem_shared>>) target(%arg15 : memref<16x640xf32, #tpu.memory_space<vmem>>) target_semaphore(%run_scoped3A_100 : memref<!tpu.dma_semaphore, #tpu.memory_space<semaphore_mem>>)
        %dma_wait3A = arith.constant 0 : i32
        %dma_wait3A_104 = tpu.memref_slice %arg19[%dma_wait3A, %mul3A_0] : memref<16x10240xf32, #tpu.memory_space<vmem_shared>> -> memref<16x640xf32, #tpu.memory_space<vmem_shared>>
        %dma_wait3A_105 = arith.constant 0 : i32
        %dma_wait3A_106 = tpu.memref_slice %arg19[%dma_wait3A_105, %mul3A_0] : memref<16x10240xf32, #tpu.memory_space<vmem_shared>> -> memref<16x640xf32, #tpu.memory_space<vmem_shared>>
        tpu.wait_dma2 semaphore(%run_scoped3A_100 : memref<!tpu.dma_semaphore, #tpu.memory_space<semaphore_mem>>) src(%dma_wait3A_106 : memref<16x640xf32, #tpu.memory_space<vmem_shared>>) dst(%arg15 : memref<16x640xf32, #tpu.memory_space<vmem>>)
        tpu.yield
      }) : () -> ()
      %scan3A_26 = arith.constant 0 : i32
      %scan3A_27 = arith.constant 0 : i32
      %scan3A_28 = arith.constant 40 : i32
      %scan3A_29 = arith.addi %scan3A_27, %scan3A_28 : i32
      %scan3A_30 = arith.constant 1 : i32
      scf.for %scan3A_100 = %scan3A_27 to %scan3A_29 step %scan3A_30  : i32 {
        %mul3A_101 = arith.constant 16 : i32
        %mul3A_102 = arith.muli %mul3A_101, %scan3A_100 : i32
        %get3A = arith.constant 0 : i32
        %get3A_103 = arith.index_cast %get3A : i32 to index
        %get3A_104 = arith.index_cast %mul3A_102 : i32 to index
        %get3A_105 = tpu.vector_load %arg15[%get3A_103, %get3A_104] {strides = array<i32>} : memref<16x640xf32, #tpu.memory_space<vmem>>, vector<16xf32>,
        %mul3A_106 = arith.constant 16 : i32
        %mul3A_107 = arith.muli %mul3A_106, %scan3A_100 : i32
        %get3A_108 = arith.constant 1 : i32
        %get3A_109 = arith.index_cast %get3A_108 : i32 to index
        %get3A_110 = arith.index_cast %mul3A_107 : i32 to index
        %get3A_111 = tpu.vector_load %arg15[%get3A_109, %get3A_110] {strides = array<i32>} : memref<16x640xf32, #tpu.memory_space<vmem>>, vector<16xf32>,
        %add3A = arith.addf %get3A_105, %get3A_111 : vector<16xf32>
        %mul3A_112 = arith.constant 16 : i32
        %mul3A_113 = arith.muli %mul3A_112, %scan3A_100 : i32
        %get3A_114 = arith.constant 2 : i32
        %get3A_115 = arith.index_cast %get3A_114 : i32 to index
        %get3A_116 = arith.index_cast %mul3A_113 : i32 to index
        %get3A_117 = tpu.vector_load %arg15[%get3A_115, %get3A_116] {strides = array<i32>} : memref<16x640xf32, #tpu.memory_space<vmem>>, vector<16xf32>,
        %add3A_118 = arith.addf %add3A, %get3A_117 : vector<16xf32>
        %mul3A_119 = arith.constant 16 : i32
        %mul3A_120 = arith.muli %mul3A_119, %scan3A_100 : i32
        %get3A_121 = arith.constant 3 : i32
        %get3A_122 = arith.index_cast %get3A_121 : i32 to index
        %get3A_123 = arith.index_cast %mul3A_120 : i32 to index
        %get3A_124 = tpu.vector_load %arg15[%get3A_122, %get3A_123] {strides = array<i32>} : memref<16x640xf32, #tpu.memory_space<vmem>>, vector<16xf32>,
        %add3A_125 = arith.addf %add3A_118, %get3A_124 : vector<16xf32>
        %mul3A_126 = arith.constant 16 : i32
        %mul3A_127 = arith.muli %mul3A_126, %scan3A_100 : i32
        %get3A_128 = arith.constant 4 : i32
        %get3A_129 = arith.index_cast %get3A_128 : i32 to index
        %get3A_130 = arith.index_cast %mul3A_127 : i32 to index
        %get3A_131 = tpu.vector_load %arg15[%get3A_129, %get3A_130] {strides = array<i32>} : memref<16x640xf32, #tpu.memory_space<vmem>>, vector<16xf32>,
        %add3A_132 = arith.addf %add3A_125, %get3A_131 : vector<16xf32>
        %mul3A_133 = arith.constant 16 : i32
        %mul3A_134 = arith.muli %mul3A_133, %scan3A_100 : i32
        %get3A_135 = arith.constant 5 : i32
        %get3A_136 = arith.index_cast %get3A_135 : i32 to index
        %get3A_137 = arith.index_cast %mul3A_134 : i32 to index
        %get3A_138 = tpu.vector_load %arg15[%get3A_136, %get3A_137] {strides = array<i32>} : memref<16x640xf32, #tpu.memory_space<vmem>>, vector<16xf32>,
        %add3A_139 = arith.addf %add3A_132, %get3A_138 : vector<16xf32>
        %mul3A_140 = arith.constant 16 : i32
        %mul3A_141 = arith.muli %mul3A_140, %scan3A_100 : i32
        %get3A_142 = arith.constant 6 : i32
        %get3A_143 = arith.index_cast %get3A_142 : i32 to index
        %get3A_144 = arith.index_cast %mul3A_141 : i32 to index
        %get3A_145 = tpu.vector_load %arg15[%get3A_143, %get3A_144] {strides = array<i32>} : memref<16x640xf32, #tpu.memory_space<vmem>>, vector<16xf32>,
        %add3A_146 = arith.addf %add3A_139, %get3A_145 : vector<16xf32>
        %mul3A_147 = arith.constant 16 : i32
        %mul3A_148 = arith.muli %mul3A_147, %scan3A_100 : i32
        %get3A_149 = arith.constant 7 : i32
        %get3A_150 = arith.index_cast %get3A_149 : i32 to index
        %get3A_151 = arith.index_cast %mul3A_148 : i32 to index
        %get3A_152 = tpu.vector_load %arg15[%get3A_150, %get3A_151] {strides = array<i32>} : memref<16x640xf32, #tpu.memory_space<vmem>>, vector<16xf32>,
        %add3A_153 = arith.addf %add3A_146, %get3A_152 : vector<16xf32>
        %mul3A_154 = arith.constant 16 : i32
        %mul3A_155 = arith.muli %mul3A_154, %scan3A_100 : i32
        %get3A_156 = arith.constant 8 : i32
        %get3A_157 = arith.index_cast %get3A_156 : i32 to index
        %get3A_158 = arith.index_cast %mul3A_155 : i32 to index
        %get3A_159 = tpu.vector_load %arg15[%get3A_157, %get3A_158] {strides = array<i32>} : memref<16x640xf32, #tpu.memory_space<vmem>>, vector<16xf32>,
        %add3A_160 = arith.addf %add3A_153, %get3A_159 : vector<16xf32>
        %mul3A_161 = arith.constant 16 : i32
        %mul3A_162 = arith.muli %mul3A_161, %scan3A_100 : i32
        %get3A_163 = arith.constant 9 : i32
        %get3A_164 = arith.index_cast %get3A_163 : i32 to index
        %get3A_165 = arith.index_cast %mul3A_162 : i32 to index
        %get3A_166 = tpu.vector_load %arg15[%get3A_164, %get3A_165] {strides = array<i32>} : memref<16x640xf32, #tpu.memory_space<vmem>>, vector<16xf32>,
        %add3A_167 = arith.addf %add3A_160, %get3A_166 : vector<16xf32>
        %mul3A_168 = arith.constant 16 : i32
        %mul3A_169 = arith.muli %mul3A_168, %scan3A_100 : i32
        %get3A_170 = arith.constant 10 : i32
        %get3A_171 = arith.index_cast %get3A_170 : i32 to index
        %get3A_172 = arith.index_cast %mul3A_169 : i32 to index
        %get3A_173 = tpu.vector_load %arg15[%get3A_171, %get3A_172] {strides = array<i32>} : memref<16x640xf32, #tpu.memory_space<vmem>>, vector<16xf32>,
        %add3A_174 = arith.addf %add3A_167, %get3A_173 : vector<16xf32>
        %mul3A_175 = arith.constant 16 : i32
        %mul3A_176 = arith.muli %mul3A_175, %scan3A_100 : i32
        %get3A_177 = arith.constant 11 : i32
        %get3A_178 = arith.index_cast %get3A_177 : i32 to index
        %get3A_179 = arith.index_cast %mul3A_176 : i32 to index
        %get3A_180 = tpu.vector_load %arg15[%get3A_178, %get3A_179] {strides = array<i32>} : memref<16x640xf32, #tpu.memory_space<vmem>>, vector<16xf32>,
        %add3A_181 = arith.addf %add3A_174, %get3A_180 : vector<16xf32>
        %mul3A_182 = arith.constant 16 : i32
        %mul3A_183 = arith.muli %mul3A_182, %scan3A_100 : i32
        %get3A_184 = arith.constant 12 : i32
        %get3A_185 = arith.index_cast %get3A_184 : i32 to index
        %get3A_186 = arith.index_cast %mul3A_183 : i32 to index
        %get3A_187 = tpu.vector_load %arg15[%get3A_185, %get3A_186] {strides = array<i32>} : memref<16x640xf32, #tpu.memory_space<vmem>>, vector<16xf32>,
        %add3A_188 = arith.addf %add3A_181, %get3A_187 : vector<16xf32>
        %mul3A_189 = arith.constant 16 : i32
        %mul3A_190 = arith.muli %mul3A_189, %scan3A_100 : i32
        %get3A_191 = arith.constant 13 : i32
        %get3A_192 = arith.index_cast %get3A_191 : i32 to index
        %get3A_193 = arith.index_cast %mul3A_190 : i32 to index
        %get3A_194 = tpu.vector_load %arg15[%get3A_192, %get3A_193] {strides = array<i32>} : memref<16x640xf32, #tpu.memory_space<vmem>>, vector<16xf32>,
        %add3A_195 = arith.addf %add3A_188, %get3A_194 : vector<16xf32>
        %mul3A_196 = arith.constant 16 : i32
        %mul3A_197 = arith.muli %mul3A_196, %scan3A_100 : i32
        %get3A_198 = arith.constant 14 : i32
        %get3A_199 = arith.index_cast %get3A_198 : i32 to index
        %get3A_200 = arith.index_cast %mul3A_197 : i32 to index
        %get3A_201 = tpu.vector_load %arg15[%get3A_199, %get3A_200] {strides = array<i32>} : memref<16x640xf32, #tpu.memory_space<vmem>>, vector<16xf32>,
        %add3A_202 = arith.addf %add3A_195, %get3A_201 : vector<16xf32>
        %mul3A_203 = arith.constant 16 : i32
        %mul3A_204 = arith.muli %mul3A_203, %scan3A_100 : i32
        %get3A_205 = arith.constant 15 : i32
        %get3A_206 = arith.index_cast %get3A_205 : i32 to index
        %get3A_207 = arith.index_cast %mul3A_204 : i32 to index
        %get3A_208 = tpu.vector_load %arg15[%get3A_206, %get3A_207] {strides = array<i32>} : memref<16x640xf32, #tpu.memory_space<vmem>>, vector<16xf32>,
        %add3A_209 = arith.addf %add3A_202, %get3A_208 : vector<16xf32>
        %mul3A_210 = arith.constant 16 : i32
        %mul3A_211 = arith.muli %mul3A_210, %scan3A_100 : i32
        %swap3A = arith.index_cast %mul3A_211 : i32 to index
        %swap3A_212 = tpu.vector_load %arg17[%swap3A] {strides = array<i32>} : memref<640xf32, #tpu.memory_space<vmem>>, vector<16xf32>,
        tpu.vector_store %arg17[%swap3A], %add3A_209 {strides = array<i32>} : memref<640xf32, #tpu.memory_space<vmem>>, vector<16xf32>,
      }
      %scan3A_31 = arith.constant 40 : i32
      %barrier3A_32 = arith.constant 0 : index
      tpu.barrier barrier_id(%barrier3A_32)
      "tpu.region"() ({
        %run_scoped3A_100 = tpu.sem_alloc : memref<!tpu.dma_semaphore, #tpu.memory_space<semaphore_mem>>
        %dma_start3A = arith.constant 0 : i32
        %dma_start3A_101 = tpu.memref_slice %arg19[%arg1, %dma_start3A] : memref<16x10240xf32, #tpu.memory_space<vmem_shared>> -> memref<1x10240xf32, #tpu.memory_space<vmem_shared>>
        %dma_start3A_102 = tpu.memref_squeeze %dma_start3A_101 : memref<1x10240xf32, #tpu.memory_space<vmem_shared>> -> memref<10240xf32, #tpu.memory_space<vmem_shared>>
        %dma_start3A_103 = arith.constant 0 : i32
        %dma_start3A_104 = tpu.memref_slice %arg19[%arg1, %dma_start3A_103] : memref<16x10240xf32, #tpu.memory_space<vmem_shared>> -> memref<1x10240xf32, #tpu.memory_space<vmem_shared>>
        %dma_start3A_105 = tpu.memref_squeeze %dma_start3A_104 : memref<1x10240xf32, #tpu.memory_space<vmem_shared>> -> memref<10240xf32, #tpu.memory_space<vmem_shared>>
        tpu.enqueue_dma source(%arg14 : memref<10240xf32, #tpu.memory_space<vmem>>) target(%dma_start3A_105 : memref<10240xf32, #tpu.memory_space<vmem_shared>>) target_semaphore(%run_scoped3A_100 : memref<!tpu.dma_semaphore, #tpu.memory_space<semaphore_mem>>)
        %dma_wait3A = arith.constant 0 : i32
        %dma_wait3A_106 = tpu.memref_slice %arg19[%arg1, %dma_wait3A] : memref<16x10240xf32, #tpu.memory_space<vmem_shared>> -> memref<1x10240xf32, #tpu.memory_space<vmem_shared>>
        %dma_wait3A_107 = tpu.memref_squeeze %dma_wait3A_106 : memref<1x10240xf32, #tpu.memory_space<vmem_shared>> -> memref<10240xf32, #tpu.memory_space<vmem_shared>>
        %dma_wait3A_108 = arith.constant 0 : i32
        %dma_wait3A_109 = tpu.memref_slice %arg19[%arg1, %dma_wait3A_108] : memref<16x10240xf32, #tpu.memory_space<vmem_shared>> -> memref<1x10240xf32, #tpu.memory_space<vmem_shared>>
        %dma_wait3A_110 = tpu.memref_squeeze %dma_wait3A_109 : memref<1x10240xf32, #tpu.memory_space<vmem_shared>> -> memref<10240xf32, #tpu.memory_space<vmem_shared>>
        tpu.wait_dma2 semaphore(%run_scoped3A_100 : memref<!tpu.dma_semaphore, #tpu.memory_space<semaphore_mem>>) src(%arg14 : memref<10240xf32, #tpu.memory_space<vmem>>) dst(%dma_wait3A_110 : memref<10240xf32, #tpu.memory_space<vmem_shared>>)
        tpu.yield
      }) : () -> ()
      %barrier3A_33 = arith.constant 0 : index
      tpu.barrier barrier_id(%barrier3A_33)
      "tpu.region"() ({
        %run_scoped3A_100 = tpu.sem_alloc : memref<!tpu.dma_semaphore, #tpu.memory_space<semaphore_mem>>
        %dma_start3A = arith.constant 0 : i32
        %dma_start3A_101 = tpu.memref_slice %arg19[%dma_start3A, %mul3A_0] : memref<16x10240xf32, #tpu.memory_space<vmem_shared>> -> memref<16x640xf32, #tpu.memory_space<vmem_shared>>
        %dma_start3A_102 = arith.constant 0 : i32
        %dma_start3A_103 = tpu.memref_slice %arg19[%dma_start3A_102, %mul3A_0] : memref<16x10240xf32, #tpu.memory_space<vmem_shared>> -> memref<16x640xf32, #tpu.memory_space<vmem_shared>>
        tpu.enqueue_dma source(%dma_start3A_103 : memref<16x640xf32, #tpu.memory_space<vmem_shared>>) target(%arg15 : memref<16x640xf32, #tpu.memory_space<vmem>>) target_semaphore(%run_scoped3A_100 : memref<!tpu.dma_semaphore, #tpu.memory_space<semaphore_mem>>)
        %dma_wait3A = arith.constant 0 : i32
        %dma_wait3A_104 = tpu.memref_slice %arg19[%dma_wait3A, %mul3A_0] : memref<16x10240xf32, #tpu.memory_space<vmem_shared>> -> memref<16x640xf32, #tpu.memory_space<vmem_shared>>
        %dma_wait3A_105 = arith.constant 0 : i32
        %dma_wait3A_106 = tpu.memref_slice %arg19[%dma_wait3A_105, %mul3A_0] : memref<16x10240xf32, #tpu.memory_space<vmem_shared>> -> memref<16x640xf32, #tpu.memory_space<vmem_shared>>
        tpu.wait_dma2 semaphore(%run_scoped3A_100 : memref<!tpu.dma_semaphore, #tpu.memory_space<semaphore_mem>>) src(%dma_wait3A_106 : memref<16x640xf32, #tpu.memory_space<vmem_shared>>) dst(%arg15 : memref<16x640xf32, #tpu.memory_space<vmem>>)
        tpu.yield
      }) : () -> ()
      %scan3A_34 = arith.constant 0 : i32
      %scan3A_35 = arith.constant 0 : i32
      %scan3A_36 = arith.constant 40 : i32
      %scan3A_37 = arith.addi %scan3A_35, %scan3A_36 : i32
      %scan3A_38 = arith.constant 1 : i32
      scf.for %scan3A_100 = %scan3A_35 to %scan3A_37 step %scan3A_38  : i32 {
        %mul3A_101 = arith.constant 16 : i32
        %mul3A_102 = arith.muli %mul3A_101, %scan3A_100 : i32
        %get3A = arith.constant 0 : i32
        %get3A_103 = arith.index_cast %get3A : i32 to index
        %get3A_104 = arith.index_cast %mul3A_102 : i32 to index
        %get3A_105 = tpu.vector_load %arg15[%get3A_103, %get3A_104] {strides = array<i32>} : memref<16x640xf32, #tpu.memory_space<vmem>>, vector<16xf32>,
        %mul3A_106 = arith.constant 16 : i32
        %mul3A_107 = arith.muli %mul3A_106, %scan3A_100 : i32
        %get3A_108 = arith.constant 1 : i32
        %get3A_109 = arith.index_cast %get3A_108 : i32 to index
        %get3A_110 = arith.index_cast %mul3A_107 : i32 to index
        %get3A_111 = tpu.vector_load %arg15[%get3A_109, %get3A_110] {strides = array<i32>} : memref<16x640xf32, #tpu.memory_space<vmem>>, vector<16xf32>,
        %add3A = arith.addf %get3A_105, %get3A_111 : vector<16xf32>
        %mul3A_112 = arith.constant 16 : i32
        %mul3A_113 = arith.muli %mul3A_112, %scan3A_100 : i32
        %get3A_114 = arith.constant 2 : i32
        %get3A_115 = arith.index_cast %get3A_114 : i32 to index
        %get3A_116 = arith.index_cast %mul3A_113 : i32 to index
        %get3A_117 = tpu.vector_load %arg15[%get3A_115, %get3A_116] {strides = array<i32>} : memref<16x640xf32, #tpu.memory_space<vmem>>, vector<16xf32>,
        %add3A_118 = arith.addf %add3A, %get3A_117 : vector<16xf32>
        %mul3A_119 = arith.constant 16 : i32
        %mul3A_120 = arith.muli %mul3A_119, %scan3A_100 : i32
        %get3A_121 = arith.constant 3 : i32
        %get3A_122 = arith.index_cast %get3A_121 : i32 to index
        %get3A_123 = arith.index_cast %mul3A_120 : i32 to index
        %get3A_124 = tpu.vector_load %arg15[%get3A_122, %get3A_123] {strides = array<i32>} : memref<16x640xf32, #tpu.memory_space<vmem>>, vector<16xf32>,
        %add3A_125 = arith.addf %add3A_118, %get3A_124 : vector<16xf32>
        %mul3A_126 = arith.constant 16 : i32
        %mul3A_127 = arith.muli %mul3A_126, %scan3A_100 : i32
        %get3A_128 = arith.constant 4 : i32
        %get3A_129 = arith.index_cast %get3A_128 : i32 to index
        %get3A_130 = arith.index_cast %mul3A_127 : i32 to index
        %get3A_131 = tpu.vector_load %arg15[%get3A_129, %get3A_130] {strides = array<i32>} : memref<16x640xf32, #tpu.memory_space<vmem>>, vector<16xf32>,
        %add3A_132 = arith.addf %add3A_125, %get3A_131 : vector<16xf32>
        %mul3A_133 = arith.constant 16 : i32
        %mul3A_134 = arith.muli %mul3A_133, %scan3A_100 : i32
        %get3A_135 = arith.constant 5 : i32
        %get3A_136 = arith.index_cast %get3A_135 : i32 to index
        %get3A_137 = arith.index_cast %mul3A_134 : i32 to index
        %get3A_138 = tpu.vector_load %arg15[%get3A_136, %get3A_137] {strides = array<i32>} : memref<16x640xf32, #tpu.memory_space<vmem>>, vector<16xf32>,
        %add3A_139 = arith.addf %add3A_132, %get3A_138 : vector<16xf32>
        %mul3A_140 = arith.constant 16 : i32
        %mul3A_141 = arith.muli %mul3A_140, %scan3A_100 : i32
        %get3A_142 = arith.constant 6 : i32
        %get3A_143 = arith.index_cast %get3A_142 : i32 to index
        %get3A_144 = arith.index_cast %mul3A_141 : i32 to index
        %get3A_145 = tpu.vector_load %arg15[%get3A_143, %get3A_144] {strides = array<i32>} : memref<16x640xf32, #tpu.memory_space<vmem>>, vector<16xf32>,
        %add3A_146 = arith.addf %add3A_139, %get3A_145 : vector<16xf32>
        %mul3A_147 = arith.constant 16 : i32
        %mul3A_148 = arith.muli %mul3A_147, %scan3A_100 : i32
        %get3A_149 = arith.constant 7 : i32
        %get3A_150 = arith.index_cast %get3A_149 : i32 to index
        %get3A_151 = arith.index_cast %mul3A_148 : i32 to index
        %get3A_152 = tpu.vector_load %arg15[%get3A_150, %get3A_151] {strides = array<i32>} : memref<16x640xf32, #tpu.memory_space<vmem>>, vector<16xf32>,
        %add3A_153 = arith.addf %add3A_146, %get3A_152 : vector<16xf32>
        %mul3A_154 = arith.constant 16 : i32
        %mul3A_155 = arith.muli %mul3A_154, %scan3A_100 : i32
        %get3A_156 = arith.constant 8 : i32
        %get3A_157 = arith.index_cast %get3A_156 : i32 to index
        %get3A_158 = arith.index_cast %mul3A_155 : i32 to index
        %get3A_159 = tpu.vector_load %arg15[%get3A_157, %get3A_158] {strides = array<i32>} : memref<16x640xf32, #tpu.memory_space<vmem>>, vector<16xf32>,
        %add3A_160 = arith.addf %add3A_153, %get3A_159 : vector<16xf32>
        %mul3A_161 = arith.constant 16 : i32
        %mul3A_162 = arith.muli %mul3A_161, %scan3A_100 : i32
        %get3A_163 = arith.constant 9 : i32
        %get3A_164 = arith.index_cast %get3A_163 : i32 to index
        %get3A_165 = arith.index_cast %mul3A_162 : i32 to index
        %get3A_166 = tpu.vector_load %arg15[%get3A_164, %get3A_165] {strides = array<i32>} : memref<16x640xf32, #tpu.memory_space<vmem>>, vector<16xf32>,
        %add3A_167 = arith.addf %add3A_160, %get3A_166 : vector<16xf32>
        %mul3A_168 = arith.constant 16 : i32
        %mul3A_169 = arith.muli %mul3A_168, %scan3A_100 : i32
        %get3A_170 = arith.constant 10 : i32
        %get3A_171 = arith.index_cast %get3A_170 : i32 to index
        %get3A_172 = arith.index_cast %mul3A_169 : i32 to index
        %get3A_173 = tpu.vector_load %arg15[%get3A_171, %get3A_172] {strides = array<i32>} : memref<16x640xf32, #tpu.memory_space<vmem>>, vector<16xf32>,
        %add3A_174 = arith.addf %add3A_167, %get3A_173 : vector<16xf32>
        %mul3A_175 = arith.constant 16 : i32
        %mul3A_176 = arith.muli %mul3A_175, %scan3A_100 : i32
        %get3A_177 = arith.constant 11 : i32
        %get3A_178 = arith.index_cast %get3A_177 : i32 to index
        %get3A_179 = arith.index_cast %mul3A_176 : i32 to index
        %get3A_180 = tpu.vector_load %arg15[%get3A_178, %get3A_179] {strides = array<i32>} : memref<16x640xf32, #tpu.memory_space<vmem>>, vector<16xf32>,
        %add3A_181 = arith.addf %add3A_174, %get3A_180 : vector<16xf32>
        %mul3A_182 = arith.constant 16 : i32
        %mul3A_183 = arith.muli %mul3A_182, %scan3A_100 : i32
        %get3A_184 = arith.constant 12 : i32
        %get3A_185 = arith.index_cast %get3A_184 : i32 to index
        %get3A_186 = arith.index_cast %mul3A_183 : i32 to index
        %get3A_187 = tpu.vector_load %arg15[%get3A_185, %get3A_186] {strides = array<i32>} : memref<16x640xf32, #tpu.memory_space<vmem>>, vector<16xf32>,
        %add3A_188 = arith.addf %add3A_181, %get3A_187 : vector<16xf32>
        %mul3A_189 = arith.constant 16 : i32
        %mul3A_190 = arith.muli %mul3A_189, %scan3A_100 : i32
        %get3A_191 = arith.constant 13 : i32
        %get3A_192 = arith.index_cast %get3A_191 : i32 to index
        %get3A_193 = arith.index_cast %mul3A_190 : i32 to index
        %get3A_194 = tpu.vector_load %arg15[%get3A_192, %get3A_193] {strides = array<i32>} : memref<16x640xf32, #tpu.memory_space<vmem>>, vector<16xf32>,
        %add3A_195 = arith.addf %add3A_188, %get3A_194 : vector<16xf32>
        %mul3A_196 = arith.constant 16 : i32
        %mul3A_197 = arith.muli %mul3A_196, %scan3A_100 : i32
        %get3A_198 = arith.constant 14 : i32
        %get3A_199 = arith.index_cast %get3A_198 : i32 to index
        %get3A_200 = arith.index_cast %mul3A_197 : i32 to index
        %get3A_201 = tpu.vector_load %arg15[%get3A_199, %get3A_200] {strides = array<i32>} : memref<16x640xf32, #tpu.memory_space<vmem>>, vector<16xf32>,
        %add3A_202 = arith.addf %add3A_195, %get3A_201 : vector<16xf32>
        %mul3A_203 = arith.constant 16 : i32
        %mul3A_204 = arith.muli %mul3A_203, %scan3A_100 : i32
        %get3A_205 = arith.constant 15 : i32
        %get3A_206 = arith.index_cast %get3A_205 : i32 to index
        %get3A_207 = arith.index_cast %mul3A_204 : i32 to index
        %get3A_208 = tpu.vector_load %arg15[%get3A_206, %get3A_207] {strides = array<i32>} : memref<16x640xf32, #tpu.memory_space<vmem>>, vector<16xf32>,
        %add3A_209 = arith.addf %add3A_202, %get3A_208 : vector<16xf32>
        %max3A = arith.constant 1.000000e+00 : f32
        %max3A_210 = vector.broadcast %max3A : f32 to vector<16xf32>
        %max3A_211 = arith.maximumf %add3A_209, %max3A_210 : vector<16xf32>
        %div3A = arith.constant 1.000000e+00 : f32
        %div3A_212 = vector.broadcast %div3A : f32 to vector<16xf32>
        %div3A_213 = arith.divf %div3A_212, %max3A_211 : vector<16xf32>
        %mul3A_214 = arith.constant 16 : i32
        %mul3A_215 = arith.muli %mul3A_214, %scan3A_100 : i32
        %swap3A = arith.index_cast %mul3A_215 : i32 to index
        %swap3A_216 = tpu.vector_load %arg16[%swap3A] {strides = array<i32>} : memref<640xf32, #tpu.memory_space<vmem>>, vector<16xf32>,
        tpu.vector_store %arg16[%swap3A], %div3A_213 {strides = array<i32>} : memref<640xf32, #tpu.memory_space<vmem>>, vector<16xf32>,
        %mul3A_217 = arith.constant 16 : i32
        %mul3A_218 = arith.muli %mul3A_217, %scan3A_100 : i32
        %get3A_219 = arith.index_cast %mul3A_218 : i32 to index
        %get3A_220 = tpu.vector_load %arg17[%get3A_219] {strides = array<i32>} : memref<640xf32, #tpu.memory_space<vmem>>, vector<16xf32>,
        %mul3A_221 = arith.constant 16 : i32
        %mul3A_222 = arith.muli %mul3A_221, %scan3A_100 : i32
        %get3A_223 = arith.index_cast %mul3A_222 : i32 to index
        %get3A_224 = tpu.vector_load %arg16[%get3A_223] {strides = array<i32>} : memref<640xf32, #tpu.memory_space<vmem>>, vector<16xf32>,
        %mul3A_225 = arith.mulf %get3A_220, %get3A_224 : vector<16xf32>
        %mul3A_226 = arith.constant 16 : i32
        %mul3A_227 = arith.muli %mul3A_226, %scan3A_100 : i32
        %get3A_228 = arith.constant 0 : i32
        %get3A_229 = arith.index_cast %get3A_228 : i32 to index
        %get3A_230 = arith.index_cast %mul3A_227 : i32 to index
        %get3A_231 = tpu.vector_load %arg18[%get3A_229, %get3A_230] {strides = array<i32>} : memref<4x640xf32, #tpu.memory_space<vmem>>, vector<16xf32>,
        %add3A_232 = arith.addf %mul3A_225, %get3A_231 : vector<16xf32>
        %mul3A_233 = arith.constant 16 : i32
        %mul3A_234 = arith.muli %mul3A_233, %scan3A_100 : i32
        %swap3A_235 = arith.index_cast %mul3A_234 : i32 to index
        %swap3A_236 = tpu.vector_load %arg17[%swap3A_235] {strides = array<i32>} : memref<640xf32, #tpu.memory_space<vmem>>, vector<16xf32>,
        tpu.vector_store %arg17[%swap3A_235], %add3A_232 {strides = array<i32>} : memref<640xf32, #tpu.memory_space<vmem>>, vector<16xf32>,
      }
      %scan3A_39 = arith.constant 40 : i32
      "tpu.region"() ({
        %run_scoped3A_100 = tpu.sem_alloc : memref<!tpu.dma_semaphore, #tpu.memory_space<semaphore_mem>>
        %dma_start3A = tpu.memref_slice %arg20[%mul3A_0] : memref<10240xf32, #tpu.memory_space<vmem_shared>> -> memref<640xf32, #tpu.memory_space<vmem_shared>>
        %dma_start3A_101 = tpu.memref_slice %arg20[%mul3A_0] : memref<10240xf32, #tpu.memory_space<vmem_shared>> -> memref<640xf32, #tpu.memory_space<vmem_shared>>
        tpu.enqueue_dma source(%arg17 : memref<640xf32, #tpu.memory_space<vmem>>) target(%dma_start3A_101 : memref<640xf32, #tpu.memory_space<vmem_shared>>) target_semaphore(%run_scoped3A_100 : memref<!tpu.dma_semaphore, #tpu.memory_space<semaphore_mem>>)
        %dma_wait3A = tpu.memref_slice %arg20[%mul3A_0] : memref<10240xf32, #tpu.memory_space<vmem_shared>> -> memref<640xf32, #tpu.memory_space<vmem_shared>>
        %dma_wait3A_102 = tpu.memref_slice %arg20[%mul3A_0] : memref<10240xf32, #tpu.memory_space<vmem_shared>> -> memref<640xf32, #tpu.memory_space<vmem_shared>>
        tpu.wait_dma2 semaphore(%run_scoped3A_100 : memref<!tpu.dma_semaphore, #tpu.memory_space<semaphore_mem>>) src(%arg17 : memref<640xf32, #tpu.memory_space<vmem>>) dst(%dma_wait3A_102 : memref<640xf32, #tpu.memory_space<vmem_shared>>)
        tpu.yield
      }) : () -> ()
      %barrier3A_40 = arith.constant 0 : index
      tpu.barrier barrier_id(%barrier3A_40)
      "tpu.region"() ({
        %run_scoped3A_100 = tpu.sem_alloc : memref<!tpu.dma_semaphore, #tpu.memory_space<semaphore_mem>>
        tpu.enqueue_dma source(%arg20 : memref<10240xf32, #tpu.memory_space<vmem_shared>>) target(%arg10 : memref<10240xf32, #tpu.memory_space<vmem>>) target_semaphore(%run_scoped3A_100 : memref<!tpu.dma_semaphore, #tpu.memory_space<semaphore_mem>>)
        tpu.wait_dma2 semaphore(%run_scoped3A_100 : memref<!tpu.dma_semaphore, #tpu.memory_space<semaphore_mem>>) src(%arg20 : memref<10240xf32, #tpu.memory_space<vmem_shared>>) dst(%arg10 : memref<10240xf32, #tpu.memory_space<vmem>>)
        tpu.yield
      }) : () -> ()
      %scan3A_41 = arith.constant 0 : i32
      %scan3A_42 = arith.constant 0 : i32
      %scan3A_43 = arith.constant 160 : i32
      %scan3A_44 = arith.addi %scan3A_42, %scan3A_43 : i32
      %scan3A_45 = arith.constant 1 : i32
      scf.for %scan3A_100 = %scan3A_42 to %scan3A_44 step %scan3A_45  : i32 {
        %mul3A_101 = arith.constant 64 : i32
        %mul3A_102 = arith.muli %mul3A_101, %scan3A_100 : i32
        %add3A = arith.constant 0 : i32
        %add3A_103 = arith.addi %mul3A_102, %add3A : i32
        %swap3A = arith.index_cast %add3A_103 : i32 to index
        %swap3A_104 = tpu.vector_load %arg13[%swap3A] {strides = array<i32>} : memref<10240xf32, #tpu.memory_space<vmem>>, vector<16xf32>,
        tpu.vector_store %arg13[%swap3A], %broadcast_in_dim3A_6 {strides = array<i32>} : memref<10240xf32, #tpu.memory_space<vmem>>, vector<16xf32>,
        %mul3A_105 = arith.constant 64 : i32
        %mul3A_106 = arith.muli %mul3A_105, %scan3A_100 : i32
        %add3A_107 = arith.constant 16 : i32
        %add3A_108 = arith.addi %mul3A_106, %add3A_107 : i32
        %swap3A_109 = arith.index_cast %add3A_108 : i32 to index
        %swap3A_110 = tpu.vector_load %arg13[%swap3A_109] {strides = array<i32>} : memref<10240xf32, #tpu.memory_space<vmem>>, vector<16xf32>,
        tpu.vector_store %arg13[%swap3A_109], %broadcast_in_dim3A_6 {strides = array<i32>} : memref<10240xf32, #tpu.memory_space<vmem>>, vector<16xf32>,
        %mul3A_111 = arith.constant 64 : i32
        %mul3A_112 = arith.muli %mul3A_111, %scan3A_100 : i32
        %add3A_113 = arith.constant 32 : i32
        %add3A_114 = arith.addi %mul3A_112, %add3A_113 : i32
        %swap3A_115 = arith.index_cast %add3A_114 : i32 to index
        %swap3A_116 = tpu.vector_load %arg13[%swap3A_115] {strides = array<i32>} : memref<10240xf32, #tpu.memory_space<vmem>>, vector<16xf32>,
        tpu.vector_store %arg13[%swap3A_115], %broadcast_in_dim3A_6 {strides = array<i32>} : memref<10240xf32, #tpu.memory_space<vmem>>, vector<16xf32>,
        %mul3A_117 = arith.constant 64 : i32
        %mul3A_118 = arith.muli %mul3A_117, %scan3A_100 : i32
        %add3A_119 = arith.constant 48 : i32
        %add3A_120 = arith.addi %mul3A_118, %add3A_119 : i32
        %swap3A_121 = arith.index_cast %add3A_120 : i32 to index
        %swap3A_122 = tpu.vector_load %arg13[%swap3A_121] {strides = array<i32>} : memref<10240xf32, #tpu.memory_space<vmem>>, vector<16xf32>,
        tpu.vector_store %arg13[%swap3A_121], %broadcast_in_dim3A_6 {strides = array<i32>} : memref<10240xf32, #tpu.memory_space<vmem>>, vector<16xf32>,
      }
      %scan3A_46 = arith.constant 160 : i32
      %scan3A_47 = arith.constant 0 : i32
      %scan3A_48 = arith.constant 0 : i32
      %scan3A_49 = arith.constant 320 : i32
      %scan3A_50 = arith.addi %scan3A_48, %scan3A_49 : i32
      %scan3A_51 = arith.constant 1 : i32
      scf.for %scan3A_100 = %scan3A_48 to %scan3A_50 step %scan3A_51  : i32 {
        %mul3A_101 = arith.constant 64 : i32
        %mul3A_102 = arith.muli %mul3A_101, %scan3A_100 : i32
        %add3A = arith.constant 0 : i32
        %add3A_103 = arith.addi %mul3A_102, %add3A : i32
        %get3A = arith.index_cast %add3A_103 : i32 to index
        %get3A_104 = tpu.vector_load %arg11[%get3A] {strides = array<i32>} : memref<20480xi32, #tpu.memory_space<vmem>>, vector<16xi32>,
        %get3A_105 = arith.index_cast %add3A_103 : i32 to index
        %get3A_106 = tpu.vector_load %arg12[%get3A_105] {strides = array<i32>} : memref<20480xi32, #tpu.memory_space<vmem>>, vector<16xi32>,
        %gather3A = tpu.vector_load_idx %arg10[%get3A_104] : memref<10240xf32, #tpu.memory_space<vmem>>[vector<16xi32>], vector<16xf32>,
        tpu.vector_store_idx %arg13[%get3A_106], %gather3A {add = true} : memref<10240xf32, #tpu.memory_space<vmem>>[vector<16xi32>], vector<16xf32>,
        %mul3A_107 = arith.constant 64 : i32
        %mul3A_108 = arith.muli %mul3A_107, %scan3A_100 : i32
        %add3A_109 = arith.constant 16 : i32
        %add3A_110 = arith.addi %mul3A_108, %add3A_109 : i32
        %get3A_111 = arith.index_cast %add3A_110 : i32 to index
        %get3A_112 = tpu.vector_load %arg11[%get3A_111] {strides = array<i32>} : memref<20480xi32, #tpu.memory_space<vmem>>, vector<16xi32>,
        %get3A_113 = arith.index_cast %add3A_110 : i32 to index
        %get3A_114 = tpu.vector_load %arg12[%get3A_113] {strides = array<i32>} : memref<20480xi32, #tpu.memory_space<vmem>>, vector<16xi32>,
        %gather3A_115 = tpu.vector_load_idx %arg10[%get3A_112] : memref<10240xf32, #tpu.memory_space<vmem>>[vector<16xi32>], vector<16xf32>,
        tpu.vector_store_idx %arg13[%get3A_114], %gather3A_115 {add = true} : memref<10240xf32, #tpu.memory_space<vmem>>[vector<16xi32>], vector<16xf32>,
        %mul3A_116 = arith.constant 64 : i32
        %mul3A_117 = arith.muli %mul3A_116, %scan3A_100 : i32
        %add3A_118 = arith.constant 32 : i32
        %add3A_119 = arith.addi %mul3A_117, %add3A_118 : i32
        %get3A_120 = arith.index_cast %add3A_119 : i32 to index
        %get3A_121 = tpu.vector_load %arg11[%get3A_120] {strides = array<i32>} : memref<20480xi32, #tpu.memory_space<vmem>>, vector<16xi32>,
        %get3A_122 = arith.index_cast %add3A_119 : i32 to index
        %get3A_123 = tpu.vector_load %arg12[%get3A_122] {strides = array<i32>} : memref<20480xi32, #tpu.memory_space<vmem>>, vector<16xi32>,
        %gather3A_124 = tpu.vector_load_idx %arg10[%get3A_121] : memref<10240xf32, #tpu.memory_space<vmem>>[vector<16xi32>], vector<16xf32>,
        tpu.vector_store_idx %arg13[%get3A_123], %gather3A_124 {add = true} : memref<10240xf32, #tpu.memory_space<vmem>>[vector<16xi32>], vector<16xf32>,
        %mul3A_125 = arith.constant 64 : i32
        %mul3A_126 = arith.muli %mul3A_125, %scan3A_100 : i32
        %add3A_127 = arith.constant 48 : i32
        %add3A_128 = arith.addi %mul3A_126, %add3A_127 : i32
        %get3A_129 = arith.index_cast %add3A_128 : i32 to index
        %get3A_130 = tpu.vector_load %arg11[%get3A_129] {strides = array<i32>} : memref<20480xi32, #tpu.memory_space<vmem>>, vector<16xi32>,
        %get3A_131 = arith.index_cast %add3A_128 : i32 to index
        %get3A_132 = tpu.vector_load %arg12[%get3A_131] {strides = array<i32>} : memref<20480xi32, #tpu.memory_space<vmem>>, vector<16xi32>,
        %gather3A_133 = tpu.vector_load_idx %arg10[%get3A_130] : memref<10240xf32, #tpu.memory_space<vmem>>[vector<16xi32>], vector<16xf32>,
        tpu.vector_store_idx %arg13[%get3A_132], %gather3A_133 {add = true} : memref<10240xf32, #tpu.memory_space<vmem>>[vector<16xi32>], vector<16xf32>,
      }
      %scan3A_52 = arith.constant 320 : i32
      "tpu.region"() ({
        %run_scoped3A_100 = tpu.sem_alloc : memref<!tpu.dma_semaphore, #tpu.memory_space<semaphore_mem>>
        %dma_start3A = arith.constant 0 : i32
        %dma_start3A_101 = tpu.memref_slice %arg19[%arg1, %dma_start3A] : memref<16x10240xf32, #tpu.memory_space<vmem_shared>> -> memref<1x10240xf32, #tpu.memory_space<vmem_shared>>
        %dma_start3A_102 = tpu.memref_squeeze %dma_start3A_101 : memref<1x10240xf32, #tpu.memory_space<vmem_shared>> -> memref<10240xf32, #tpu.memory_space<vmem_shared>>
        %dma_start3A_103 = arith.constant 0 : i32
        %dma_start3A_104 = tpu.memref_slice %arg19[%arg1, %dma_start3A_103] : memref<16x10240xf32, #tpu.memory_space<vmem_shared>> -> memref<1x10240xf32, #tpu.memory_space<vmem_shared>>
        %dma_start3A_105 = tpu.memref_squeeze %dma_start3A_104 : memref<1x10240xf32, #tpu.memory_space<vmem_shared>> -> memref<10240xf32, #tpu.memory_space<vmem_shared>>
        tpu.enqueue_dma source(%arg13 : memref<10240xf32, #tpu.memory_space<vmem>>) target(%dma_start3A_105 : memref<10240xf32, #tpu.memory_space<vmem_shared>>) target_semaphore(%run_scoped3A_100 : memref<!tpu.dma_semaphore, #tpu.memory_space<semaphore_mem>>)
        %dma_wait3A = arith.constant 0 : i32
        %dma_wait3A_106 = tpu.memref_slice %arg19[%arg1, %dma_wait3A] : memref<16x10240xf32, #tpu.memory_space<vmem_shared>> -> memref<1x10240xf32, #tpu.memory_space<vmem_shared>>
        %dma_wait3A_107 = tpu.memref_squeeze %dma_wait3A_106 : memref<1x10240xf32, #tpu.memory_space<vmem_shared>> -> memref<10240xf32, #tpu.memory_space<vmem_shared>>
        %dma_wait3A_108 = arith.constant 0 : i32
        %dma_wait3A_109 = tpu.memref_slice %arg19[%arg1, %dma_wait3A_108] : memref<16x10240xf32, #tpu.memory_space<vmem_shared>> -> memref<1x10240xf32, #tpu.memory_space<vmem_shared>>
        %dma_wait3A_110 = tpu.memref_squeeze %dma_wait3A_109 : memref<1x10240xf32, #tpu.memory_space<vmem_shared>> -> memref<10240xf32, #tpu.memory_space<vmem_shared>>
        tpu.wait_dma2 semaphore(%run_scoped3A_100 : memref<!tpu.dma_semaphore, #tpu.memory_space<semaphore_mem>>) src(%arg13 : memref<10240xf32, #tpu.memory_space<vmem>>) dst(%dma_wait3A_110 : memref<10240xf32, #tpu.memory_space<vmem_shared>>)
        tpu.yield
      }) : () -> ()
      %barrier3A_53 = arith.constant 0 : index
      tpu.barrier barrier_id(%barrier3A_53)
      "tpu.region"() ({
        %run_scoped3A_100 = tpu.sem_alloc : memref<!tpu.dma_semaphore, #tpu.memory_space<semaphore_mem>>
        %dma_start3A = arith.constant 0 : i32
        %dma_start3A_101 = tpu.memref_slice %arg19[%dma_start3A, %mul3A_0] : memref<16x10240xf32, #tpu.memory_space<vmem_shared>> -> memref<16x640xf32, #tpu.memory_space<vmem_shared>>
        %dma_start3A_102 = arith.constant 0 : i32
        %dma_start3A_103 = tpu.memref_slice %arg19[%dma_start3A_102, %mul3A_0] : memref<16x10240xf32, #tpu.memory_space<vmem_shared>> -> memref<16x640xf32, #tpu.memory_space<vmem_shared>>
        tpu.enqueue_dma source(%dma_start3A_103 : memref<16x640xf32, #tpu.memory_space<vmem_shared>>) target(%arg15 : memref<16x640xf32, #tpu.memory_space<vmem>>) target_semaphore(%run_scoped3A_100 : memref<!tpu.dma_semaphore, #tpu.memory_space<semaphore_mem>>)
        %dma_wait3A = arith.constant 0 : i32
        %dma_wait3A_104 = tpu.memref_slice %arg19[%dma_wait3A, %mul3A_0] : memref<16x10240xf32, #tpu.memory_space<vmem_shared>> -> memref<16x640xf32, #tpu.memory_space<vmem_shared>>
        %dma_wait3A_105 = arith.constant 0 : i32
        %dma_wait3A_106 = tpu.memref_slice %arg19[%dma_wait3A_105, %mul3A_0] : memref<16x10240xf32, #tpu.memory_space<vmem_shared>> -> memref<16x640xf32, #tpu.memory_space<vmem_shared>>
        tpu.wait_dma2 semaphore(%run_scoped3A_100 : memref<!tpu.dma_semaphore, #tpu.memory_space<semaphore_mem>>) src(%dma_wait3A_106 : memref<16x640xf32, #tpu.memory_space<vmem_shared>>) dst(%arg15 : memref<16x640xf32, #tpu.memory_space<vmem>>)
        tpu.yield
      }) : () -> ()
      %scan3A_54 = arith.constant 0 : i32
      %scan3A_55 = arith.constant 0 : i32
      %scan3A_56 = arith.constant 40 : i32
      %scan3A_57 = arith.addi %scan3A_55, %scan3A_56 : i32
      %scan3A_58 = arith.constant 1 : i32
      scf.for %scan3A_100 = %scan3A_55 to %scan3A_57 step %scan3A_58  : i32 {
        %mul3A_101 = arith.constant 16 : i32
        %mul3A_102 = arith.muli %mul3A_101, %scan3A_100 : i32
        %get3A = arith.constant 0 : i32
        %get3A_103 = arith.index_cast %get3A : i32 to index
        %get3A_104 = arith.index_cast %mul3A_102 : i32 to index
        %get3A_105 = tpu.vector_load %arg15[%get3A_103, %get3A_104] {strides = array<i32>} : memref<16x640xf32, #tpu.memory_space<vmem>>, vector<16xf32>,
        %mul3A_106 = arith.constant 16 : i32
        %mul3A_107 = arith.muli %mul3A_106, %scan3A_100 : i32
        %get3A_108 = arith.constant 1 : i32
        %get3A_109 = arith.index_cast %get3A_108 : i32 to index
        %get3A_110 = arith.index_cast %mul3A_107 : i32 to index
        %get3A_111 = tpu.vector_load %arg15[%get3A_109, %get3A_110] {strides = array<i32>} : memref<16x640xf32, #tpu.memory_space<vmem>>, vector<16xf32>,
        %add3A = arith.addf %get3A_105, %get3A_111 : vector<16xf32>
        %mul3A_112 = arith.constant 16 : i32
        %mul3A_113 = arith.muli %mul3A_112, %scan3A_100 : i32
        %get3A_114 = arith.constant 2 : i32
        %get3A_115 = arith.index_cast %get3A_114 : i32 to index
        %get3A_116 = arith.index_cast %mul3A_113 : i32 to index
        %get3A_117 = tpu.vector_load %arg15[%get3A_115, %get3A_116] {strides = array<i32>} : memref<16x640xf32, #tpu.memory_space<vmem>>, vector<16xf32>,
        %add3A_118 = arith.addf %add3A, %get3A_117 : vector<16xf32>
        %mul3A_119 = arith.constant 16 : i32
        %mul3A_120 = arith.muli %mul3A_119, %scan3A_100 : i32
        %get3A_121 = arith.constant 3 : i32
        %get3A_122 = arith.index_cast %get3A_121 : i32 to index
        %get3A_123 = arith.index_cast %mul3A_120 : i32 to index
        %get3A_124 = tpu.vector_load %arg15[%get3A_122, %get3A_123] {strides = array<i32>} : memref<16x640xf32, #tpu.memory_space<vmem>>, vector<16xf32>,
        %add3A_125 = arith.addf %add3A_118, %get3A_124 : vector<16xf32>
        %mul3A_126 = arith.constant 16 : i32
        %mul3A_127 = arith.muli %mul3A_126, %scan3A_100 : i32
        %get3A_128 = arith.constant 4 : i32
        %get3A_129 = arith.index_cast %get3A_128 : i32 to index
        %get3A_130 = arith.index_cast %mul3A_127 : i32 to index
        %get3A_131 = tpu.vector_load %arg15[%get3A_129, %get3A_130] {strides = array<i32>} : memref<16x640xf32, #tpu.memory_space<vmem>>, vector<16xf32>,
        %add3A_132 = arith.addf %add3A_125, %get3A_131 : vector<16xf32>
        %mul3A_133 = arith.constant 16 : i32
        %mul3A_134 = arith.muli %mul3A_133, %scan3A_100 : i32
        %get3A_135 = arith.constant 5 : i32
        %get3A_136 = arith.index_cast %get3A_135 : i32 to index
        %get3A_137 = arith.index_cast %mul3A_134 : i32 to index
        %get3A_138 = tpu.vector_load %arg15[%get3A_136, %get3A_137] {strides = array<i32>} : memref<16x640xf32, #tpu.memory_space<vmem>>, vector<16xf32>,
        %add3A_139 = arith.addf %add3A_132, %get3A_138 : vector<16xf32>
        %mul3A_140 = arith.constant 16 : i32
        %mul3A_141 = arith.muli %mul3A_140, %scan3A_100 : i32
        %get3A_142 = arith.constant 6 : i32
        %get3A_143 = arith.index_cast %get3A_142 : i32 to index
        %get3A_144 = arith.index_cast %mul3A_141 : i32 to index
        %get3A_145 = tpu.vector_load %arg15[%get3A_143, %get3A_144] {strides = array<i32>} : memref<16x640xf32, #tpu.memory_space<vmem>>, vector<16xf32>,
        %add3A_146 = arith.addf %add3A_139, %get3A_145 : vector<16xf32>
        %mul3A_147 = arith.constant 16 : i32
        %mul3A_148 = arith.muli %mul3A_147, %scan3A_100 : i32
        %get3A_149 = arith.constant 7 : i32
        %get3A_150 = arith.index_cast %get3A_149 : i32 to index
        %get3A_151 = arith.index_cast %mul3A_148 : i32 to index
        %get3A_152 = tpu.vector_load %arg15[%get3A_150, %get3A_151] {strides = array<i32>} : memref<16x640xf32, #tpu.memory_space<vmem>>, vector<16xf32>,
        %add3A_153 = arith.addf %add3A_146, %get3A_152 : vector<16xf32>
        %mul3A_154 = arith.constant 16 : i32
        %mul3A_155 = arith.muli %mul3A_154, %scan3A_100 : i32
        %get3A_156 = arith.constant 8 : i32
        %get3A_157 = arith.index_cast %get3A_156 : i32 to index
        %get3A_158 = arith.index_cast %mul3A_155 : i32 to index
        %get3A_159 = tpu.vector_load %arg15[%get3A_157, %get3A_158] {strides = array<i32>} : memref<16x640xf32, #tpu.memory_space<vmem>>, vector<16xf32>,
        %add3A_160 = arith.addf %add3A_153, %get3A_159 : vector<16xf32>
        %mul3A_161 = arith.constant 16 : i32
        %mul3A_162 = arith.muli %mul3A_161, %scan3A_100 : i32
        %get3A_163 = arith.constant 9 : i32
        %get3A_164 = arith.index_cast %get3A_163 : i32 to index
        %get3A_165 = arith.index_cast %mul3A_162 : i32 to index
        %get3A_166 = tpu.vector_load %arg15[%get3A_164, %get3A_165] {strides = array<i32>} : memref<16x640xf32, #tpu.memory_space<vmem>>, vector<16xf32>,
        %add3A_167 = arith.addf %add3A_160, %get3A_166 : vector<16xf32>
        %mul3A_168 = arith.constant 16 : i32
        %mul3A_169 = arith.muli %mul3A_168, %scan3A_100 : i32
        %get3A_170 = arith.constant 10 : i32
        %get3A_171 = arith.index_cast %get3A_170 : i32 to index
        %get3A_172 = arith.index_cast %mul3A_169 : i32 to index
        %get3A_173 = tpu.vector_load %arg15[%get3A_171, %get3A_172] {strides = array<i32>} : memref<16x640xf32, #tpu.memory_space<vmem>>, vector<16xf32>,
        %add3A_174 = arith.addf %add3A_167, %get3A_173 : vector<16xf32>
        %mul3A_175 = arith.constant 16 : i32
        %mul3A_176 = arith.muli %mul3A_175, %scan3A_100 : i32
        %get3A_177 = arith.constant 11 : i32
        %get3A_178 = arith.index_cast %get3A_177 : i32 to index
        %get3A_179 = arith.index_cast %mul3A_176 : i32 to index
        %get3A_180 = tpu.vector_load %arg15[%get3A_178, %get3A_179] {strides = array<i32>} : memref<16x640xf32, #tpu.memory_space<vmem>>, vector<16xf32>,
        %add3A_181 = arith.addf %add3A_174, %get3A_180 : vector<16xf32>
        %mul3A_182 = arith.constant 16 : i32
        %mul3A_183 = arith.muli %mul3A_182, %scan3A_100 : i32
        %get3A_184 = arith.constant 12 : i32
        %get3A_185 = arith.index_cast %get3A_184 : i32 to index
        %get3A_186 = arith.index_cast %mul3A_183 : i32 to index
        %get3A_187 = tpu.vector_load %arg15[%get3A_185, %get3A_186] {strides = array<i32>} : memref<16x640xf32, #tpu.memory_space<vmem>>, vector<16xf32>,
        %add3A_188 = arith.addf %add3A_181, %get3A_187 : vector<16xf32>
        %mul3A_189 = arith.constant 16 : i32
        %mul3A_190 = arith.muli %mul3A_189, %scan3A_100 : i32
        %get3A_191 = arith.constant 13 : i32
        %get3A_192 = arith.index_cast %get3A_191 : i32 to index
        %get3A_193 = arith.index_cast %mul3A_190 : i32 to index
        %get3A_194 = tpu.vector_load %arg15[%get3A_192, %get3A_193] {strides = array<i32>} : memref<16x640xf32, #tpu.memory_space<vmem>>, vector<16xf32>,
        %add3A_195 = arith.addf %add3A_188, %get3A_194 : vector<16xf32>
        %mul3A_196 = arith.constant 16 : i32
        %mul3A_197 = arith.muli %mul3A_196, %scan3A_100 : i32
        %get3A_198 = arith.constant 14 : i32
        %get3A_199 = arith.index_cast %get3A_198 : i32 to index
        %get3A_200 = arith.index_cast %mul3A_197 : i32 to index
        %get3A_201 = tpu.vector_load %arg15[%get3A_199, %get3A_200] {strides = array<i32>} : memref<16x640xf32, #tpu.memory_space<vmem>>, vector<16xf32>,
        %add3A_202 = arith.addf %add3A_195, %get3A_201 : vector<16xf32>
        %mul3A_203 = arith.constant 16 : i32
        %mul3A_204 = arith.muli %mul3A_203, %scan3A_100 : i32
        %get3A_205 = arith.constant 15 : i32
        %get3A_206 = arith.index_cast %get3A_205 : i32 to index
        %get3A_207 = arith.index_cast %mul3A_204 : i32 to index
        %get3A_208 = tpu.vector_load %arg15[%get3A_206, %get3A_207] {strides = array<i32>} : memref<16x640xf32, #tpu.memory_space<vmem>>, vector<16xf32>,
        %add3A_209 = arith.addf %add3A_202, %get3A_208 : vector<16xf32>
        %mul3A_210 = arith.constant 16 : i32
        %mul3A_211 = arith.muli %mul3A_210, %scan3A_100 : i32
        %get3A_212 = arith.index_cast %mul3A_211 : i32 to index
        %get3A_213 = tpu.vector_load %arg16[%get3A_212] {strides = array<i32>} : memref<640xf32, #tpu.memory_space<vmem>>, vector<16xf32>,
        %mul3A_214 = arith.mulf %add3A_209, %get3A_213 : vector<16xf32>
        %mul3A_215 = arith.constant 16 : i32
        %mul3A_216 = arith.muli %mul3A_215, %scan3A_100 : i32
        %get3A_217 = arith.constant 1 : i32
        %get3A_218 = arith.index_cast %get3A_217 : i32 to index
        %get3A_219 = arith.index_cast %mul3A_216 : i32 to index
        %get3A_220 = tpu.vector_load %arg18[%get3A_218, %get3A_219] {strides = array<i32>} : memref<4x640xf32, #tpu.memory_space<vmem>>, vector<16xf32>,
        %add3A_221 = arith.addf %mul3A_214, %get3A_220 : vector<16xf32>
        %mul3A_222 = arith.constant 16 : i32
        %mul3A_223 = arith.muli %mul3A_222, %scan3A_100 : i32
        %swap3A = arith.index_cast %mul3A_223 : i32 to index
        %swap3A_224 = tpu.vector_load %arg17[%swap3A] {strides = array<i32>} : memref<640xf32, #tpu.memory_space<vmem>>, vector<16xf32>,
        tpu.vector_store %arg17[%swap3A], %add3A_221 {strides = array<i32>} : memref<640xf32, #tpu.memory_space<vmem>>, vector<16xf32>,
      }
      %scan3A_59 = arith.constant 40 : i32
      "tpu.region"() ({
        %run_scoped3A_100 = tpu.sem_alloc : memref<!tpu.dma_semaphore, #tpu.memory_space<semaphore_mem>>
        %dma_start3A = tpu.memref_slice %arg20[%mul3A_0] : memref<10240xf32, #tpu.memory_space<vmem_shared>> -> memref<640xf32, #tpu.memory_space<vmem_shared>>
        %dma_start3A_101 = tpu.memref_slice %arg20[%mul3A_0] : memref<10240xf32, #tpu.memory_space<vmem_shared>> -> memref<640xf32, #tpu.memory_space<vmem_shared>>
        tpu.enqueue_dma source(%arg17 : memref<640xf32, #tpu.memory_space<vmem>>) target(%dma_start3A_101 : memref<640xf32, #tpu.memory_space<vmem_shared>>) target_semaphore(%run_scoped3A_100 : memref<!tpu.dma_semaphore, #tpu.memory_space<semaphore_mem>>)
        %dma_wait3A = tpu.memref_slice %arg20[%mul3A_0] : memref<10240xf32, #tpu.memory_space<vmem_shared>> -> memref<640xf32, #tpu.memory_space<vmem_shared>>
        %dma_wait3A_102 = tpu.memref_slice %arg20[%mul3A_0] : memref<10240xf32, #tpu.memory_space<vmem_shared>> -> memref<640xf32, #tpu.memory_space<vmem_shared>>
        tpu.wait_dma2 semaphore(%run_scoped3A_100 : memref<!tpu.dma_semaphore, #tpu.memory_space<semaphore_mem>>) src(%arg17 : memref<640xf32, #tpu.memory_space<vmem>>) dst(%dma_wait3A_102 : memref<640xf32, #tpu.memory_space<vmem_shared>>)
        tpu.yield
      }) : () -> ()
      %barrier3A_60 = arith.constant 0 : index
      tpu.barrier barrier_id(%barrier3A_60)
      "tpu.region"() ({
        %run_scoped3A_100 = tpu.sem_alloc : memref<!tpu.dma_semaphore, #tpu.memory_space<semaphore_mem>>
        tpu.enqueue_dma source(%arg20 : memref<10240xf32, #tpu.memory_space<vmem_shared>>) target(%arg10 : memref<10240xf32, #tpu.memory_space<vmem>>) target_semaphore(%run_scoped3A_100 : memref<!tpu.dma_semaphore, #tpu.memory_space<semaphore_mem>>)
        tpu.wait_dma2 semaphore(%run_scoped3A_100 : memref<!tpu.dma_semaphore, #tpu.memory_space<semaphore_mem>>) src(%arg20 : memref<10240xf32, #tpu.memory_space<vmem_shared>>) dst(%arg10 : memref<10240xf32, #tpu.memory_space<vmem>>)
        tpu.yield
      }) : () -> ()
      %scan3A_61 = arith.constant 0 : i32
      %scan3A_62 = arith.constant 0 : i32
      %scan3A_63 = arith.constant 160 : i32
      %scan3A_64 = arith.addi %scan3A_62, %scan3A_63 : i32
      %scan3A_65 = arith.constant 1 : i32
      scf.for %scan3A_100 = %scan3A_62 to %scan3A_64 step %scan3A_65  : i32 {
        %mul3A_101 = arith.constant 64 : i32
        %mul3A_102 = arith.muli %mul3A_101, %scan3A_100 : i32
        %add3A = arith.constant 0 : i32
        %add3A_103 = arith.addi %mul3A_102, %add3A : i32
        %swap3A = arith.index_cast %add3A_103 : i32 to index
        %swap3A_104 = tpu.vector_load %arg13[%swap3A] {strides = array<i32>} : memref<10240xf32, #tpu.memory_space<vmem>>, vector<16xf32>,
        tpu.vector_store %arg13[%swap3A], %broadcast_in_dim3A_6 {strides = array<i32>} : memref<10240xf32, #tpu.memory_space<vmem>>, vector<16xf32>,
        %mul3A_105 = arith.constant 64 : i32
        %mul3A_106 = arith.muli %mul3A_105, %scan3A_100 : i32
        %add3A_107 = arith.constant 16 : i32
        %add3A_108 = arith.addi %mul3A_106, %add3A_107 : i32
        %swap3A_109 = arith.index_cast %add3A_108 : i32 to index
        %swap3A_110 = tpu.vector_load %arg13[%swap3A_109] {strides = array<i32>} : memref<10240xf32, #tpu.memory_space<vmem>>, vector<16xf32>,
        tpu.vector_store %arg13[%swap3A_109], %broadcast_in_dim3A_6 {strides = array<i32>} : memref<10240xf32, #tpu.memory_space<vmem>>, vector<16xf32>,
        %mul3A_111 = arith.constant 64 : i32
        %mul3A_112 = arith.muli %mul3A_111, %scan3A_100 : i32
        %add3A_113 = arith.constant 32 : i32
        %add3A_114 = arith.addi %mul3A_112, %add3A_113 : i32
        %swap3A_115 = arith.index_cast %add3A_114 : i32 to index
        %swap3A_116 = tpu.vector_load %arg13[%swap3A_115] {strides = array<i32>} : memref<10240xf32, #tpu.memory_space<vmem>>, vector<16xf32>,
        tpu.vector_store %arg13[%swap3A_115], %broadcast_in_dim3A_6 {strides = array<i32>} : memref<10240xf32, #tpu.memory_space<vmem>>, vector<16xf32>,
        %mul3A_117 = arith.constant 64 : i32
        %mul3A_118 = arith.muli %mul3A_117, %scan3A_100 : i32
        %add3A_119 = arith.constant 48 : i32
        %add3A_120 = arith.addi %mul3A_118, %add3A_119 : i32
        %swap3A_121 = arith.index_cast %add3A_120 : i32 to index
        %swap3A_122 = tpu.vector_load %arg13[%swap3A_121] {strides = array<i32>} : memref<10240xf32, #tpu.memory_space<vmem>>, vector<16xf32>,
        tpu.vector_store %arg13[%swap3A_121], %broadcast_in_dim3A_6 {strides = array<i32>} : memref<10240xf32, #tpu.memory_space<vmem>>, vector<16xf32>,
      }
      %scan3A_66 = arith.constant 160 : i32
      %scan3A_67 = arith.constant 0 : i32
      %scan3A_68 = arith.constant 0 : i32
      %scan3A_69 = arith.constant 320 : i32
      %scan3A_70 = arith.addi %scan3A_68, %scan3A_69 : i32
      %scan3A_71 = arith.constant 1 : i32
      scf.for %scan3A_100 = %scan3A_68 to %scan3A_70 step %scan3A_71  : i32 {
        %mul3A_101 = arith.constant 64 : i32
        %mul3A_102 = arith.muli %mul3A_101, %scan3A_100 : i32
        %add3A = arith.constant 0 : i32
        %add3A_103 = arith.addi %mul3A_102, %add3A : i32
        %get3A = arith.index_cast %add3A_103 : i32 to index
        %get3A_104 = tpu.vector_load %arg11[%get3A] {strides = array<i32>} : memref<20480xi32, #tpu.memory_space<vmem>>, vector<16xi32>,
        %get3A_105 = arith.index_cast %add3A_103 : i32 to index
        %get3A_106 = tpu.vector_load %arg12[%get3A_105] {strides = array<i32>} : memref<20480xi32, #tpu.memory_space<vmem>>, vector<16xi32>,
        %gather3A = tpu.vector_load_idx %arg10[%get3A_104] : memref<10240xf32, #tpu.memory_space<vmem>>[vector<16xi32>], vector<16xf32>,
        tpu.vector_store_idx %arg13[%get3A_106], %gather3A {add = true} : memref<10240xf32, #tpu.memory_space<vmem>>[vector<16xi32>], vector<16xf32>,
        %mul3A_107 = arith.constant 64 : i32
        %mul3A_108 = arith.muli %mul3A_107, %scan3A_100 : i32
        %add3A_109 = arith.constant 16 : i32
        %add3A_110 = arith.addi %mul3A_108, %add3A_109 : i32
        %get3A_111 = arith.index_cast %add3A_110 : i32 to index
        %get3A_112 = tpu.vector_load %arg11[%get3A_111] {strides = array<i32>} : memref<20480xi32, #tpu.memory_space<vmem>>, vector<16xi32>,
        %get3A_113 = arith.index_cast %add3A_110 : i32 to index
        %get3A_114 = tpu.vector_load %arg12[%get3A_113] {strides = array<i32>} : memref<20480xi32, #tpu.memory_space<vmem>>, vector<16xi32>,
        %gather3A_115 = tpu.vector_load_idx %arg10[%get3A_112] : memref<10240xf32, #tpu.memory_space<vmem>>[vector<16xi32>], vector<16xf32>,
        tpu.vector_store_idx %arg13[%get3A_114], %gather3A_115 {add = true} : memref<10240xf32, #tpu.memory_space<vmem>>[vector<16xi32>], vector<16xf32>,
        %mul3A_116 = arith.constant 64 : i32
        %mul3A_117 = arith.muli %mul3A_116, %scan3A_100 : i32
        %add3A_118 = arith.constant 32 : i32
        %add3A_119 = arith.addi %mul3A_117, %add3A_118 : i32
        %get3A_120 = arith.index_cast %add3A_119 : i32 to index
        %get3A_121 = tpu.vector_load %arg11[%get3A_120] {strides = array<i32>} : memref<20480xi32, #tpu.memory_space<vmem>>, vector<16xi32>,
        %get3A_122 = arith.index_cast %add3A_119 : i32 to index
        %get3A_123 = tpu.vector_load %arg12[%get3A_122] {strides = array<i32>} : memref<20480xi32, #tpu.memory_space<vmem>>, vector<16xi32>,
        %gather3A_124 = tpu.vector_load_idx %arg10[%get3A_121] : memref<10240xf32, #tpu.memory_space<vmem>>[vector<16xi32>], vector<16xf32>,
        tpu.vector_store_idx %arg13[%get3A_123], %gather3A_124 {add = true} : memref<10240xf32, #tpu.memory_space<vmem>>[vector<16xi32>], vector<16xf32>,
        %mul3A_125 = arith.constant 64 : i32
        %mul3A_126 = arith.muli %mul3A_125, %scan3A_100 : i32
        %add3A_127 = arith.constant 48 : i32
        %add3A_128 = arith.addi %mul3A_126, %add3A_127 : i32
        %get3A_129 = arith.index_cast %add3A_128 : i32 to index
        %get3A_130 = tpu.vector_load %arg11[%get3A_129] {strides = array<i32>} : memref<20480xi32, #tpu.memory_space<vmem>>, vector<16xi32>,
        %get3A_131 = arith.index_cast %add3A_128 : i32 to index
        %get3A_132 = tpu.vector_load %arg12[%get3A_131] {strides = array<i32>} : memref<20480xi32, #tpu.memory_space<vmem>>, vector<16xi32>,
        %gather3A_133 = tpu.vector_load_idx %arg10[%get3A_130] : memref<10240xf32, #tpu.memory_space<vmem>>[vector<16xi32>], vector<16xf32>,
        tpu.vector_store_idx %arg13[%get3A_132], %gather3A_133 {add = true} : memref<10240xf32, #tpu.memory_space<vmem>>[vector<16xi32>], vector<16xf32>,
      }
      %scan3A_72 = arith.constant 320 : i32
      "tpu.region"() ({
        %run_scoped3A_100 = tpu.sem_alloc : memref<!tpu.dma_semaphore, #tpu.memory_space<semaphore_mem>>
        %dma_start3A = arith.constant 0 : i32
        %dma_start3A_101 = tpu.memref_slice %arg19[%arg1, %dma_start3A] : memref<16x10240xf32, #tpu.memory_space<vmem_shared>> -> memref<1x10240xf32, #tpu.memory_space<vmem_shared>>
        %dma_start3A_102 = tpu.memref_squeeze %dma_start3A_101 : memref<1x10240xf32, #tpu.memory_space<vmem_shared>> -> memref<10240xf32, #tpu.memory_space<vmem_shared>>
        %dma_start3A_103 = arith.constant 0 : i32
        %dma_start3A_104 = tpu.memref_slice %arg19[%arg1, %dma_start3A_103] : memref<16x10240xf32, #tpu.memory_space<vmem_shared>> -> memref<1x10240xf32, #tpu.memory_space<vmem_shared>>
        %dma_start3A_105 = tpu.memref_squeeze %dma_start3A_104 : memref<1x10240xf32, #tpu.memory_space<vmem_shared>> -> memref<10240xf32, #tpu.memory_space<vmem_shared>>
        tpu.enqueue_dma source(%arg13 : memref<10240xf32, #tpu.memory_space<vmem>>) target(%dma_start3A_105 : memref<10240xf32, #tpu.memory_space<vmem_shared>>) target_semaphore(%run_scoped3A_100 : memref<!tpu.dma_semaphore, #tpu.memory_space<semaphore_mem>>)
        %dma_wait3A = arith.constant 0 : i32
        %dma_wait3A_106 = tpu.memref_slice %arg19[%arg1, %dma_wait3A] : memref<16x10240xf32, #tpu.memory_space<vmem_shared>> -> memref<1x10240xf32, #tpu.memory_space<vmem_shared>>
        %dma_wait3A_107 = tpu.memref_squeeze %dma_wait3A_106 : memref<1x10240xf32, #tpu.memory_space<vmem_shared>> -> memref<10240xf32, #tpu.memory_space<vmem_shared>>
        %dma_wait3A_108 = arith.constant 0 : i32
        %dma_wait3A_109 = tpu.memref_slice %arg19[%arg1, %dma_wait3A_108] : memref<16x10240xf32, #tpu.memory_space<vmem_shared>> -> memref<1x10240xf32, #tpu.memory_space<vmem_shared>>
        %dma_wait3A_110 = tpu.memref_squeeze %dma_wait3A_109 : memref<1x10240xf32, #tpu.memory_space<vmem_shared>> -> memref<10240xf32, #tpu.memory_space<vmem_shared>>
        tpu.wait_dma2 semaphore(%run_scoped3A_100 : memref<!tpu.dma_semaphore, #tpu.memory_space<semaphore_mem>>) src(%arg13 : memref<10240xf32, #tpu.memory_space<vmem>>) dst(%dma_wait3A_110 : memref<10240xf32, #tpu.memory_space<vmem_shared>>)
        tpu.yield
      }) : () -> ()
      %barrier3A_73 = arith.constant 0 : index
      tpu.barrier barrier_id(%barrier3A_73)
      "tpu.region"() ({
        %run_scoped3A_100 = tpu.sem_alloc : memref<!tpu.dma_semaphore, #tpu.memory_space<semaphore_mem>>
        %dma_start3A = arith.constant 0 : i32
        %dma_start3A_101 = tpu.memref_slice %arg19[%dma_start3A, %mul3A_0] : memref<16x10240xf32, #tpu.memory_space<vmem_shared>> -> memref<16x640xf32, #tpu.memory_space<vmem_shared>>
        %dma_start3A_102 = arith.constant 0 : i32
        %dma_start3A_103 = tpu.memref_slice %arg19[%dma_start3A_102, %mul3A_0] : memref<16x10240xf32, #tpu.memory_space<vmem_shared>> -> memref<16x640xf32, #tpu.memory_space<vmem_shared>>
        tpu.enqueue_dma source(%dma_start3A_103 : memref<16x640xf32, #tpu.memory_space<vmem_shared>>) target(%arg15 : memref<16x640xf32, #tpu.memory_space<vmem>>) target_semaphore(%run_scoped3A_100 : memref<!tpu.dma_semaphore, #tpu.memory_space<semaphore_mem>>)
        %dma_wait3A = arith.constant 0 : i32
        %dma_wait3A_104 = tpu.memref_slice %arg19[%dma_wait3A, %mul3A_0] : memref<16x10240xf32, #tpu.memory_space<vmem_shared>> -> memref<16x640xf32, #tpu.memory_space<vmem_shared>>
        %dma_wait3A_105 = arith.constant 0 : i32
        %dma_wait3A_106 = tpu.memref_slice %arg19[%dma_wait3A_105, %mul3A_0] : memref<16x10240xf32, #tpu.memory_space<vmem_shared>> -> memref<16x640xf32, #tpu.memory_space<vmem_shared>>
        tpu.wait_dma2 semaphore(%run_scoped3A_100 : memref<!tpu.dma_semaphore, #tpu.memory_space<semaphore_mem>>) src(%dma_wait3A_106 : memref<16x640xf32, #tpu.memory_space<vmem_shared>>) dst(%arg15 : memref<16x640xf32, #tpu.memory_space<vmem>>)
        tpu.yield
      }) : () -> ()
      %scan3A_74 = arith.constant 0 : i32
      %scan3A_75 = arith.constant 0 : i32
      %scan3A_76 = arith.constant 40 : i32
      %scan3A_77 = arith.addi %scan3A_75, %scan3A_76 : i32
      %scan3A_78 = arith.constant 1 : i32
      scf.for %scan3A_100 = %scan3A_75 to %scan3A_77 step %scan3A_78  : i32 {
        %mul3A_101 = arith.constant 16 : i32
        %mul3A_102 = arith.muli %mul3A_101, %scan3A_100 : i32
        %get3A = arith.constant 0 : i32
        %get3A_103 = arith.index_cast %get3A : i32 to index
        %get3A_104 = arith.index_cast %mul3A_102 : i32 to index
        %get3A_105 = tpu.vector_load %arg15[%get3A_103, %get3A_104] {strides = array<i32>} : memref<16x640xf32, #tpu.memory_space<vmem>>, vector<16xf32>,
        %mul3A_106 = arith.constant 16 : i32
        %mul3A_107 = arith.muli %mul3A_106, %scan3A_100 : i32
        %get3A_108 = arith.constant 1 : i32
        %get3A_109 = arith.index_cast %get3A_108 : i32 to index
        %get3A_110 = arith.index_cast %mul3A_107 : i32 to index
        %get3A_111 = tpu.vector_load %arg15[%get3A_109, %get3A_110] {strides = array<i32>} : memref<16x640xf32, #tpu.memory_space<vmem>>, vector<16xf32>,
        %add3A = arith.addf %get3A_105, %get3A_111 : vector<16xf32>
        %mul3A_112 = arith.constant 16 : i32
        %mul3A_113 = arith.muli %mul3A_112, %scan3A_100 : i32
        %get3A_114 = arith.constant 2 : i32
        %get3A_115 = arith.index_cast %get3A_114 : i32 to index
        %get3A_116 = arith.index_cast %mul3A_113 : i32 to index
        %get3A_117 = tpu.vector_load %arg15[%get3A_115, %get3A_116] {strides = array<i32>} : memref<16x640xf32, #tpu.memory_space<vmem>>, vector<16xf32>,
        %add3A_118 = arith.addf %add3A, %get3A_117 : vector<16xf32>
        %mul3A_119 = arith.constant 16 : i32
        %mul3A_120 = arith.muli %mul3A_119, %scan3A_100 : i32
        %get3A_121 = arith.constant 3 : i32
        %get3A_122 = arith.index_cast %get3A_121 : i32 to index
        %get3A_123 = arith.index_cast %mul3A_120 : i32 to index
        %get3A_124 = tpu.vector_load %arg15[%get3A_122, %get3A_123] {strides = array<i32>} : memref<16x640xf32, #tpu.memory_space<vmem>>, vector<16xf32>,
        %add3A_125 = arith.addf %add3A_118, %get3A_124 : vector<16xf32>
        %mul3A_126 = arith.constant 16 : i32
        %mul3A_127 = arith.muli %mul3A_126, %scan3A_100 : i32
        %get3A_128 = arith.constant 4 : i32
        %get3A_129 = arith.index_cast %get3A_128 : i32 to index
        %get3A_130 = arith.index_cast %mul3A_127 : i32 to index
        %get3A_131 = tpu.vector_load %arg15[%get3A_129, %get3A_130] {strides = array<i32>} : memref<16x640xf32, #tpu.memory_space<vmem>>, vector<16xf32>,
        %add3A_132 = arith.addf %add3A_125, %get3A_131 : vector<16xf32>
        %mul3A_133 = arith.constant 16 : i32
        %mul3A_134 = arith.muli %mul3A_133, %scan3A_100 : i32
        %get3A_135 = arith.constant 5 : i32
        %get3A_136 = arith.index_cast %get3A_135 : i32 to index
        %get3A_137 = arith.index_cast %mul3A_134 : i32 to index
        %get3A_138 = tpu.vector_load %arg15[%get3A_136, %get3A_137] {strides = array<i32>} : memref<16x640xf32, #tpu.memory_space<vmem>>, vector<16xf32>,
        %add3A_139 = arith.addf %add3A_132, %get3A_138 : vector<16xf32>
        %mul3A_140 = arith.constant 16 : i32
        %mul3A_141 = arith.muli %mul3A_140, %scan3A_100 : i32
        %get3A_142 = arith.constant 6 : i32
        %get3A_143 = arith.index_cast %get3A_142 : i32 to index
        %get3A_144 = arith.index_cast %mul3A_141 : i32 to index
        %get3A_145 = tpu.vector_load %arg15[%get3A_143, %get3A_144] {strides = array<i32>} : memref<16x640xf32, #tpu.memory_space<vmem>>, vector<16xf32>,
        %add3A_146 = arith.addf %add3A_139, %get3A_145 : vector<16xf32>
        %mul3A_147 = arith.constant 16 : i32
        %mul3A_148 = arith.muli %mul3A_147, %scan3A_100 : i32
        %get3A_149 = arith.constant 7 : i32
        %get3A_150 = arith.index_cast %get3A_149 : i32 to index
        %get3A_151 = arith.index_cast %mul3A_148 : i32 to index
        %get3A_152 = tpu.vector_load %arg15[%get3A_150, %get3A_151] {strides = array<i32>} : memref<16x640xf32, #tpu.memory_space<vmem>>, vector<16xf32>,
        %add3A_153 = arith.addf %add3A_146, %get3A_152 : vector<16xf32>
        %mul3A_154 = arith.constant 16 : i32
        %mul3A_155 = arith.muli %mul3A_154, %scan3A_100 : i32
        %get3A_156 = arith.constant 8 : i32
        %get3A_157 = arith.index_cast %get3A_156 : i32 to index
        %get3A_158 = arith.index_cast %mul3A_155 : i32 to index
        %get3A_159 = tpu.vector_load %arg15[%get3A_157, %get3A_158] {strides = array<i32>} : memref<16x640xf32, #tpu.memory_space<vmem>>, vector<16xf32>,
        %add3A_160 = arith.addf %add3A_153, %get3A_159 : vector<16xf32>
        %mul3A_161 = arith.constant 16 : i32
        %mul3A_162 = arith.muli %mul3A_161, %scan3A_100 : i32
        %get3A_163 = arith.constant 9 : i32
        %get3A_164 = arith.index_cast %get3A_163 : i32 to index
        %get3A_165 = arith.index_cast %mul3A_162 : i32 to index
        %get3A_166 = tpu.vector_load %arg15[%get3A_164, %get3A_165] {strides = array<i32>} : memref<16x640xf32, #tpu.memory_space<vmem>>, vector<16xf32>,
        %add3A_167 = arith.addf %add3A_160, %get3A_166 : vector<16xf32>
        %mul3A_168 = arith.constant 16 : i32
        %mul3A_169 = arith.muli %mul3A_168, %scan3A_100 : i32
        %get3A_170 = arith.constant 10 : i32
        %get3A_171 = arith.index_cast %get3A_170 : i32 to index
        %get3A_172 = arith.index_cast %mul3A_169 : i32 to index
        %get3A_173 = tpu.vector_load %arg15[%get3A_171, %get3A_172] {strides = array<i32>} : memref<16x640xf32, #tpu.memory_space<vmem>>, vector<16xf32>,
        %add3A_174 = arith.addf %add3A_167, %get3A_173 : vector<16xf32>
        %mul3A_175 = arith.constant 16 : i32
        %mul3A_176 = arith.muli %mul3A_175, %scan3A_100 : i32
        %get3A_177 = arith.constant 11 : i32
        %get3A_178 = arith.index_cast %get3A_177 : i32 to index
        %get3A_179 = arith.index_cast %mul3A_176 : i32 to index
        %get3A_180 = tpu.vector_load %arg15[%get3A_178, %get3A_179] {strides = array<i32>} : memref<16x640xf32, #tpu.memory_space<vmem>>, vector<16xf32>,
        %add3A_181 = arith.addf %add3A_174, %get3A_180 : vector<16xf32>
        %mul3A_182 = arith.constant 16 : i32
        %mul3A_183 = arith.muli %mul3A_182, %scan3A_100 : i32
        %get3A_184 = arith.constant 12 : i32
        %get3A_185 = arith.index_cast %get3A_184 : i32 to index
        %get3A_186 = arith.index_cast %mul3A_183 : i32 to index
        %get3A_187 = tpu.vector_load %arg15[%get3A_185, %get3A_186] {strides = array<i32>} : memref<16x640xf32, #tpu.memory_space<vmem>>, vector<16xf32>,
        %add3A_188 = arith.addf %add3A_181, %get3A_187 : vector<16xf32>
        %mul3A_189 = arith.constant 16 : i32
        %mul3A_190 = arith.muli %mul3A_189, %scan3A_100 : i32
        %get3A_191 = arith.constant 13 : i32
        %get3A_192 = arith.index_cast %get3A_191 : i32 to index
        %get3A_193 = arith.index_cast %mul3A_190 : i32 to index
        %get3A_194 = tpu.vector_load %arg15[%get3A_192, %get3A_193] {strides = array<i32>} : memref<16x640xf32, #tpu.memory_space<vmem>>, vector<16xf32>,
        %add3A_195 = arith.addf %add3A_188, %get3A_194 : vector<16xf32>
        %mul3A_196 = arith.constant 16 : i32
        %mul3A_197 = arith.muli %mul3A_196, %scan3A_100 : i32
        %get3A_198 = arith.constant 14 : i32
        %get3A_199 = arith.index_cast %get3A_198 : i32 to index
        %get3A_200 = arith.index_cast %mul3A_197 : i32 to index
        %get3A_201 = tpu.vector_load %arg15[%get3A_199, %get3A_200] {strides = array<i32>} : memref<16x640xf32, #tpu.memory_space<vmem>>, vector<16xf32>,
        %add3A_202 = arith.addf %add3A_195, %get3A_201 : vector<16xf32>
        %mul3A_203 = arith.constant 16 : i32
        %mul3A_204 = arith.muli %mul3A_203, %scan3A_100 : i32
        %get3A_205 = arith.constant 15 : i32
        %get3A_206 = arith.index_cast %get3A_205 : i32 to index
        %get3A_207 = arith.index_cast %mul3A_204 : i32 to index
        %get3A_208 = tpu.vector_load %arg15[%get3A_206, %get3A_207] {strides = array<i32>} : memref<16x640xf32, #tpu.memory_space<vmem>>, vector<16xf32>,
        %add3A_209 = arith.addf %add3A_202, %get3A_208 : vector<16xf32>
        %mul3A_210 = arith.constant 16 : i32
        %mul3A_211 = arith.muli %mul3A_210, %scan3A_100 : i32
        %get3A_212 = arith.index_cast %mul3A_211 : i32 to index
        %get3A_213 = tpu.vector_load %arg16[%get3A_212] {strides = array<i32>} : memref<640xf32, #tpu.memory_space<vmem>>, vector<16xf32>,
        %mul3A_214 = arith.mulf %add3A_209, %get3A_213 : vector<16xf32>
        %mul3A_215 = arith.constant 16 : i32
        %mul3A_216 = arith.muli %mul3A_215, %scan3A_100 : i32
        %get3A_217 = arith.constant 2 : i32
        %get3A_218 = arith.index_cast %get3A_217 : i32 to index
        %get3A_219 = arith.index_cast %mul3A_216 : i32 to index
        %get3A_220 = tpu.vector_load %arg18[%get3A_218, %get3A_219] {strides = array<i32>} : memref<4x640xf32, #tpu.memory_space<vmem>>, vector<16xf32>,
        %add3A_221 = arith.addf %mul3A_214, %get3A_220 : vector<16xf32>
        %mul3A_222 = arith.constant 16 : i32
        %mul3A_223 = arith.muli %mul3A_222, %scan3A_100 : i32
        %swap3A = arith.index_cast %mul3A_223 : i32 to index
        %swap3A_224 = tpu.vector_load %arg17[%swap3A] {strides = array<i32>} : memref<640xf32, #tpu.memory_space<vmem>>, vector<16xf32>,
        tpu.vector_store %arg17[%swap3A], %add3A_221 {strides = array<i32>} : memref<640xf32, #tpu.memory_space<vmem>>, vector<16xf32>,
      }
      %scan3A_79 = arith.constant 40 : i32
      "tpu.region"() ({
        %run_scoped3A_100 = tpu.sem_alloc : memref<!tpu.dma_semaphore, #tpu.memory_space<semaphore_mem>>
        %dma_start3A = tpu.memref_slice %arg20[%mul3A_0] : memref<10240xf32, #tpu.memory_space<vmem_shared>> -> memref<640xf32, #tpu.memory_space<vmem_shared>>
        %dma_start3A_101 = tpu.memref_slice %arg20[%mul3A_0] : memref<10240xf32, #tpu.memory_space<vmem_shared>> -> memref<640xf32, #tpu.memory_space<vmem_shared>>
        tpu.enqueue_dma source(%arg17 : memref<640xf32, #tpu.memory_space<vmem>>) target(%dma_start3A_101 : memref<640xf32, #tpu.memory_space<vmem_shared>>) target_semaphore(%run_scoped3A_100 : memref<!tpu.dma_semaphore, #tpu.memory_space<semaphore_mem>>)
        %dma_wait3A = tpu.memref_slice %arg20[%mul3A_0] : memref<10240xf32, #tpu.memory_space<vmem_shared>> -> memref<640xf32, #tpu.memory_space<vmem_shared>>
        %dma_wait3A_102 = tpu.memref_slice %arg20[%mul3A_0] : memref<10240xf32, #tpu.memory_space<vmem_shared>> -> memref<640xf32, #tpu.memory_space<vmem_shared>>
        tpu.wait_dma2 semaphore(%run_scoped3A_100 : memref<!tpu.dma_semaphore, #tpu.memory_space<semaphore_mem>>) src(%arg17 : memref<640xf32, #tpu.memory_space<vmem>>) dst(%dma_wait3A_102 : memref<640xf32, #tpu.memory_space<vmem_shared>>)
        tpu.yield
      }) : () -> ()
      %barrier3A_80 = arith.constant 0 : index
      tpu.barrier barrier_id(%barrier3A_80)
      "tpu.region"() ({
        %run_scoped3A_100 = tpu.sem_alloc : memref<!tpu.dma_semaphore, #tpu.memory_space<semaphore_mem>>
        tpu.enqueue_dma source(%arg20 : memref<10240xf32, #tpu.memory_space<vmem_shared>>) target(%arg10 : memref<10240xf32, #tpu.memory_space<vmem>>) target_semaphore(%run_scoped3A_100 : memref<!tpu.dma_semaphore, #tpu.memory_space<semaphore_mem>>)
        tpu.wait_dma2 semaphore(%run_scoped3A_100 : memref<!tpu.dma_semaphore, #tpu.memory_space<semaphore_mem>>) src(%arg20 : memref<10240xf32, #tpu.memory_space<vmem_shared>>) dst(%arg10 : memref<10240xf32, #tpu.memory_space<vmem>>)
        tpu.yield
      }) : () -> ()
      %scan3A_81 = arith.constant 0 : i32
      %scan3A_82 = arith.constant 0 : i32
      %scan3A_83 = arith.constant 160 : i32
      %scan3A_84 = arith.addi %scan3A_82, %scan3A_83 : i32
      %scan3A_85 = arith.constant 1 : i32
      scf.for %scan3A_100 = %scan3A_82 to %scan3A_84 step %scan3A_85  : i32 {
        %mul3A_101 = arith.constant 64 : i32
        %mul3A_102 = arith.muli %mul3A_101, %scan3A_100 : i32
        %add3A = arith.constant 0 : i32
        %add3A_103 = arith.addi %mul3A_102, %add3A : i32
        %swap3A = arith.index_cast %add3A_103 : i32 to index
        %swap3A_104 = tpu.vector_load %arg13[%swap3A] {strides = array<i32>} : memref<10240xf32, #tpu.memory_space<vmem>>, vector<16xf32>,
        tpu.vector_store %arg13[%swap3A], %broadcast_in_dim3A_6 {strides = array<i32>} : memref<10240xf32, #tpu.memory_space<vmem>>, vector<16xf32>,
        %mul3A_105 = arith.constant 64 : i32
        %mul3A_106 = arith.muli %mul3A_105, %scan3A_100 : i32
        %add3A_107 = arith.constant 16 : i32
        %add3A_108 = arith.addi %mul3A_106, %add3A_107 : i32
        %swap3A_109 = arith.index_cast %add3A_108 : i32 to index
        %swap3A_110 = tpu.vector_load %arg13[%swap3A_109] {strides = array<i32>} : memref<10240xf32, #tpu.memory_space<vmem>>, vector<16xf32>,
        tpu.vector_store %arg13[%swap3A_109], %broadcast_in_dim3A_6 {strides = array<i32>} : memref<10240xf32, #tpu.memory_space<vmem>>, vector<16xf32>,
        %mul3A_111 = arith.constant 64 : i32
        %mul3A_112 = arith.muli %mul3A_111, %scan3A_100 : i32
        %add3A_113 = arith.constant 32 : i32
        %add3A_114 = arith.addi %mul3A_112, %add3A_113 : i32
        %swap3A_115 = arith.index_cast %add3A_114 : i32 to index
        %swap3A_116 = tpu.vector_load %arg13[%swap3A_115] {strides = array<i32>} : memref<10240xf32, #tpu.memory_space<vmem>>, vector<16xf32>,
        tpu.vector_store %arg13[%swap3A_115], %broadcast_in_dim3A_6 {strides = array<i32>} : memref<10240xf32, #tpu.memory_space<vmem>>, vector<16xf32>,
        %mul3A_117 = arith.constant 64 : i32
        %mul3A_118 = arith.muli %mul3A_117, %scan3A_100 : i32
        %add3A_119 = arith.constant 48 : i32
        %add3A_120 = arith.addi %mul3A_118, %add3A_119 : i32
        %swap3A_121 = arith.index_cast %add3A_120 : i32 to index
        %swap3A_122 = tpu.vector_load %arg13[%swap3A_121] {strides = array<i32>} : memref<10240xf32, #tpu.memory_space<vmem>>, vector<16xf32>,
        tpu.vector_store %arg13[%swap3A_121], %broadcast_in_dim3A_6 {strides = array<i32>} : memref<10240xf32, #tpu.memory_space<vmem>>, vector<16xf32>,
      }
      %scan3A_86 = arith.constant 160 : i32
      %scan3A_87 = arith.constant 0 : i32
      %scan3A_88 = arith.constant 0 : i32
      %scan3A_89 = arith.constant 320 : i32
      %scan3A_90 = arith.addi %scan3A_88, %scan3A_89 : i32
      %scan3A_91 = arith.constant 1 : i32
      scf.for %scan3A_100 = %scan3A_88 to %scan3A_90 step %scan3A_91  : i32 {
        %mul3A_101 = arith.constant 64 : i32
        %mul3A_102 = arith.muli %mul3A_101, %scan3A_100 : i32
        %add3A = arith.constant 0 : i32
        %add3A_103 = arith.addi %mul3A_102, %add3A : i32
        %get3A = arith.index_cast %add3A_103 : i32 to index
        %get3A_104 = tpu.vector_load %arg11[%get3A] {strides = array<i32>} : memref<20480xi32, #tpu.memory_space<vmem>>, vector<16xi32>,
        %get3A_105 = arith.index_cast %add3A_103 : i32 to index
        %get3A_106 = tpu.vector_load %arg12[%get3A_105] {strides = array<i32>} : memref<20480xi32, #tpu.memory_space<vmem>>, vector<16xi32>,
        %gather3A = tpu.vector_load_idx %arg10[%get3A_104] : memref<10240xf32, #tpu.memory_space<vmem>>[vector<16xi32>], vector<16xf32>,
        tpu.vector_store_idx %arg13[%get3A_106], %gather3A {add = true} : memref<10240xf32, #tpu.memory_space<vmem>>[vector<16xi32>], vector<16xf32>,
        %mul3A_107 = arith.constant 64 : i32
        %mul3A_108 = arith.muli %mul3A_107, %scan3A_100 : i32
        %add3A_109 = arith.constant 16 : i32
        %add3A_110 = arith.addi %mul3A_108, %add3A_109 : i32
        %get3A_111 = arith.index_cast %add3A_110 : i32 to index
        %get3A_112 = tpu.vector_load %arg11[%get3A_111] {strides = array<i32>} : memref<20480xi32, #tpu.memory_space<vmem>>, vector<16xi32>,
        %get3A_113 = arith.index_cast %add3A_110 : i32 to index
        %get3A_114 = tpu.vector_load %arg12[%get3A_113] {strides = array<i32>} : memref<20480xi32, #tpu.memory_space<vmem>>, vector<16xi32>,
        %gather3A_115 = tpu.vector_load_idx %arg10[%get3A_112] : memref<10240xf32, #tpu.memory_space<vmem>>[vector<16xi32>], vector<16xf32>,
        tpu.vector_store_idx %arg13[%get3A_114], %gather3A_115 {add = true} : memref<10240xf32, #tpu.memory_space<vmem>>[vector<16xi32>], vector<16xf32>,
        %mul3A_116 = arith.constant 64 : i32
        %mul3A_117 = arith.muli %mul3A_116, %scan3A_100 : i32
        %add3A_118 = arith.constant 32 : i32
        %add3A_119 = arith.addi %mul3A_117, %add3A_118 : i32
        %get3A_120 = arith.index_cast %add3A_119 : i32 to index
        %get3A_121 = tpu.vector_load %arg11[%get3A_120] {strides = array<i32>} : memref<20480xi32, #tpu.memory_space<vmem>>, vector<16xi32>,
        %get3A_122 = arith.index_cast %add3A_119 : i32 to index
        %get3A_123 = tpu.vector_load %arg12[%get3A_122] {strides = array<i32>} : memref<20480xi32, #tpu.memory_space<vmem>>, vector<16xi32>,
        %gather3A_124 = tpu.vector_load_idx %arg10[%get3A_121] : memref<10240xf32, #tpu.memory_space<vmem>>[vector<16xi32>], vector<16xf32>,
        tpu.vector_store_idx %arg13[%get3A_123], %gather3A_124 {add = true} : memref<10240xf32, #tpu.memory_space<vmem>>[vector<16xi32>], vector<16xf32>,
        %mul3A_125 = arith.constant 64 : i32
        %mul3A_126 = arith.muli %mul3A_125, %scan3A_100 : i32
        %add3A_127 = arith.constant 48 : i32
        %add3A_128 = arith.addi %mul3A_126, %add3A_127 : i32
        %get3A_129 = arith.index_cast %add3A_128 : i32 to index
        %get3A_130 = tpu.vector_load %arg11[%get3A_129] {strides = array<i32>} : memref<20480xi32, #tpu.memory_space<vmem>>, vector<16xi32>,
        %get3A_131 = arith.index_cast %add3A_128 : i32 to index
        %get3A_132 = tpu.vector_load %arg12[%get3A_131] {strides = array<i32>} : memref<20480xi32, #tpu.memory_space<vmem>>, vector<16xi32>,
        %gather3A_133 = tpu.vector_load_idx %arg10[%get3A_130] : memref<10240xf32, #tpu.memory_space<vmem>>[vector<16xi32>], vector<16xf32>,
        tpu.vector_store_idx %arg13[%get3A_132], %gather3A_133 {add = true} : memref<10240xf32, #tpu.memory_space<vmem>>[vector<16xi32>], vector<16xf32>,
      }
      %scan3A_92 = arith.constant 320 : i32
      "tpu.region"() ({
        %run_scoped3A_100 = tpu.sem_alloc : memref<!tpu.dma_semaphore, #tpu.memory_space<semaphore_mem>>
        %dma_start3A = arith.constant 0 : i32
        %dma_start3A_101 = tpu.memref_slice %arg19[%arg1, %dma_start3A] : memref<16x10240xf32, #tpu.memory_space<vmem_shared>> -> memref<1x10240xf32, #tpu.memory_space<vmem_shared>>
        %dma_start3A_102 = tpu.memref_squeeze %dma_start3A_101 : memref<1x10240xf32, #tpu.memory_space<vmem_shared>> -> memref<10240xf32, #tpu.memory_space<vmem_shared>>
        %dma_start3A_103 = arith.constant 0 : i32
        %dma_start3A_104 = tpu.memref_slice %arg19[%arg1, %dma_start3A_103] : memref<16x10240xf32, #tpu.memory_space<vmem_shared>> -> memref<1x10240xf32, #tpu.memory_space<vmem_shared>>
        %dma_start3A_105 = tpu.memref_squeeze %dma_start3A_104 : memref<1x10240xf32, #tpu.memory_space<vmem_shared>> -> memref<10240xf32, #tpu.memory_space<vmem_shared>>
        tpu.enqueue_dma source(%arg13 : memref<10240xf32, #tpu.memory_space<vmem>>) target(%dma_start3A_105 : memref<10240xf32, #tpu.memory_space<vmem_shared>>) target_semaphore(%run_scoped3A_100 : memref<!tpu.dma_semaphore, #tpu.memory_space<semaphore_mem>>)
        %dma_wait3A = arith.constant 0 : i32
        %dma_wait3A_106 = tpu.memref_slice %arg19[%arg1, %dma_wait3A] : memref<16x10240xf32, #tpu.memory_space<vmem_shared>> -> memref<1x10240xf32, #tpu.memory_space<vmem_shared>>
        %dma_wait3A_107 = tpu.memref_squeeze %dma_wait3A_106 : memref<1x10240xf32, #tpu.memory_space<vmem_shared>> -> memref<10240xf32, #tpu.memory_space<vmem_shared>>
        %dma_wait3A_108 = arith.constant 0 : i32
        %dma_wait3A_109 = tpu.memref_slice %arg19[%arg1, %dma_wait3A_108] : memref<16x10240xf32, #tpu.memory_space<vmem_shared>> -> memref<1x10240xf32, #tpu.memory_space<vmem_shared>>
        %dma_wait3A_110 = tpu.memref_squeeze %dma_wait3A_109 : memref<1x10240xf32, #tpu.memory_space<vmem_shared>> -> memref<10240xf32, #tpu.memory_space<vmem_shared>>
        tpu.wait_dma2 semaphore(%run_scoped3A_100 : memref<!tpu.dma_semaphore, #tpu.memory_space<semaphore_mem>>) src(%arg13 : memref<10240xf32, #tpu.memory_space<vmem>>) dst(%dma_wait3A_110 : memref<10240xf32, #tpu.memory_space<vmem_shared>>)
        tpu.yield
      }) : () -> ()
      %barrier3A_93 = arith.constant 0 : index
      tpu.barrier barrier_id(%barrier3A_93)
      "tpu.region"() ({
        %run_scoped3A_100 = tpu.sem_alloc : memref<!tpu.dma_semaphore, #tpu.memory_space<semaphore_mem>>
        %dma_start3A = arith.constant 0 : i32
        %dma_start3A_101 = tpu.memref_slice %arg19[%dma_start3A, %mul3A_0] : memref<16x10240xf32, #tpu.memory_space<vmem_shared>> -> memref<16x640xf32, #tpu.memory_space<vmem_shared>>
        %dma_start3A_102 = arith.constant 0 : i32
        %dma_start3A_103 = tpu.memref_slice %arg19[%dma_start3A_102, %mul3A_0] : memref<16x10240xf32, #tpu.memory_space<vmem_shared>> -> memref<16x640xf32, #tpu.memory_space<vmem_shared>>
        tpu.enqueue_dma source(%dma_start3A_103 : memref<16x640xf32, #tpu.memory_space<vmem_shared>>) target(%arg15 : memref<16x640xf32, #tpu.memory_space<vmem>>) target_semaphore(%run_scoped3A_100 : memref<!tpu.dma_semaphore, #tpu.memory_space<semaphore_mem>>)
        %dma_wait3A = arith.constant 0 : i32
        %dma_wait3A_104 = tpu.memref_slice %arg19[%dma_wait3A, %mul3A_0] : memref<16x10240xf32, #tpu.memory_space<vmem_shared>> -> memref<16x640xf32, #tpu.memory_space<vmem_shared>>
        %dma_wait3A_105 = arith.constant 0 : i32
        %dma_wait3A_106 = tpu.memref_slice %arg19[%dma_wait3A_105, %mul3A_0] : memref<16x10240xf32, #tpu.memory_space<vmem_shared>> -> memref<16x640xf32, #tpu.memory_space<vmem_shared>>
        tpu.wait_dma2 semaphore(%run_scoped3A_100 : memref<!tpu.dma_semaphore, #tpu.memory_space<semaphore_mem>>) src(%dma_wait3A_106 : memref<16x640xf32, #tpu.memory_space<vmem_shared>>) dst(%arg15 : memref<16x640xf32, #tpu.memory_space<vmem>>)
        tpu.yield
      }) : () -> ()
      %scan3A_94 = arith.constant 0 : i32
      %scan3A_95 = arith.constant 0 : i32
      %scan3A_96 = arith.constant 40 : i32
      %scan3A_97 = arith.addi %scan3A_95, %scan3A_96 : i32
      %scan3A_98 = arith.constant 1 : i32
      scf.for %scan3A_100 = %scan3A_95 to %scan3A_97 step %scan3A_98  : i32 {
        %mul3A_101 = arith.constant 16 : i32
        %mul3A_102 = arith.muli %mul3A_101, %scan3A_100 : i32
        %get3A = arith.constant 0 : i32
        %get3A_103 = arith.index_cast %get3A : i32 to index
        %get3A_104 = arith.index_cast %mul3A_102 : i32 to index
        %get3A_105 = tpu.vector_load %arg15[%get3A_103, %get3A_104] {strides = array<i32>} : memref<16x640xf32, #tpu.memory_space<vmem>>, vector<16xf32>,
        %mul3A_106 = arith.constant 16 : i32
        %mul3A_107 = arith.muli %mul3A_106, %scan3A_100 : i32
        %get3A_108 = arith.constant 1 : i32
        %get3A_109 = arith.index_cast %get3A_108 : i32 to index
        %get3A_110 = arith.index_cast %mul3A_107 : i32 to index
        %get3A_111 = tpu.vector_load %arg15[%get3A_109, %get3A_110] {strides = array<i32>} : memref<16x640xf32, #tpu.memory_space<vmem>>, vector<16xf32>,
        %add3A = arith.addf %get3A_105, %get3A_111 : vector<16xf32>
        %mul3A_112 = arith.constant 16 : i32
        %mul3A_113 = arith.muli %mul3A_112, %scan3A_100 : i32
        %get3A_114 = arith.constant 2 : i32
        %get3A_115 = arith.index_cast %get3A_114 : i32 to index
        %get3A_116 = arith.index_cast %mul3A_113 : i32 to index
        %get3A_117 = tpu.vector_load %arg15[%get3A_115, %get3A_116] {strides = array<i32>} : memref<16x640xf32, #tpu.memory_space<vmem>>, vector<16xf32>,
        %add3A_118 = arith.addf %add3A, %get3A_117 : vector<16xf32>
        %mul3A_119 = arith.constant 16 : i32
        %mul3A_120 = arith.muli %mul3A_119, %scan3A_100 : i32
        %get3A_121 = arith.constant 3 : i32
        %get3A_122 = arith.index_cast %get3A_121 : i32 to index
        %get3A_123 = arith.index_cast %mul3A_120 : i32 to index
        %get3A_124 = tpu.vector_load %arg15[%get3A_122, %get3A_123] {strides = array<i32>} : memref<16x640xf32, #tpu.memory_space<vmem>>, vector<16xf32>,
        %add3A_125 = arith.addf %add3A_118, %get3A_124 : vector<16xf32>
        %mul3A_126 = arith.constant 16 : i32
        %mul3A_127 = arith.muli %mul3A_126, %scan3A_100 : i32
        %get3A_128 = arith.constant 4 : i32
        %get3A_129 = arith.index_cast %get3A_128 : i32 to index
        %get3A_130 = arith.index_cast %mul3A_127 : i32 to index
        %get3A_131 = tpu.vector_load %arg15[%get3A_129, %get3A_130] {strides = array<i32>} : memref<16x640xf32, #tpu.memory_space<vmem>>, vector<16xf32>,
        %add3A_132 = arith.addf %add3A_125, %get3A_131 : vector<16xf32>
        %mul3A_133 = arith.constant 16 : i32
        %mul3A_134 = arith.muli %mul3A_133, %scan3A_100 : i32
        %get3A_135 = arith.constant 5 : i32
        %get3A_136 = arith.index_cast %get3A_135 : i32 to index
        %get3A_137 = arith.index_cast %mul3A_134 : i32 to index
        %get3A_138 = tpu.vector_load %arg15[%get3A_136, %get3A_137] {strides = array<i32>} : memref<16x640xf32, #tpu.memory_space<vmem>>, vector<16xf32>,
        %add3A_139 = arith.addf %add3A_132, %get3A_138 : vector<16xf32>
        %mul3A_140 = arith.constant 16 : i32
        %mul3A_141 = arith.muli %mul3A_140, %scan3A_100 : i32
        %get3A_142 = arith.constant 6 : i32
        %get3A_143 = arith.index_cast %get3A_142 : i32 to index
        %get3A_144 = arith.index_cast %mul3A_141 : i32 to index
        %get3A_145 = tpu.vector_load %arg15[%get3A_143, %get3A_144] {strides = array<i32>} : memref<16x640xf32, #tpu.memory_space<vmem>>, vector<16xf32>,
        %add3A_146 = arith.addf %add3A_139, %get3A_145 : vector<16xf32>
        %mul3A_147 = arith.constant 16 : i32
        %mul3A_148 = arith.muli %mul3A_147, %scan3A_100 : i32
        %get3A_149 = arith.constant 7 : i32
        %get3A_150 = arith.index_cast %get3A_149 : i32 to index
        %get3A_151 = arith.index_cast %mul3A_148 : i32 to index
        %get3A_152 = tpu.vector_load %arg15[%get3A_150, %get3A_151] {strides = array<i32>} : memref<16x640xf32, #tpu.memory_space<vmem>>, vector<16xf32>,
        %add3A_153 = arith.addf %add3A_146, %get3A_152 : vector<16xf32>
        %mul3A_154 = arith.constant 16 : i32
        %mul3A_155 = arith.muli %mul3A_154, %scan3A_100 : i32
        %get3A_156 = arith.constant 8 : i32
        %get3A_157 = arith.index_cast %get3A_156 : i32 to index
        %get3A_158 = arith.index_cast %mul3A_155 : i32 to index
        %get3A_159 = tpu.vector_load %arg15[%get3A_157, %get3A_158] {strides = array<i32>} : memref<16x640xf32, #tpu.memory_space<vmem>>, vector<16xf32>,
        %add3A_160 = arith.addf %add3A_153, %get3A_159 : vector<16xf32>
        %mul3A_161 = arith.constant 16 : i32
        %mul3A_162 = arith.muli %mul3A_161, %scan3A_100 : i32
        %get3A_163 = arith.constant 9 : i32
        %get3A_164 = arith.index_cast %get3A_163 : i32 to index
        %get3A_165 = arith.index_cast %mul3A_162 : i32 to index
        %get3A_166 = tpu.vector_load %arg15[%get3A_164, %get3A_165] {strides = array<i32>} : memref<16x640xf32, #tpu.memory_space<vmem>>, vector<16xf32>,
        %add3A_167 = arith.addf %add3A_160, %get3A_166 : vector<16xf32>
        %mul3A_168 = arith.constant 16 : i32
        %mul3A_169 = arith.muli %mul3A_168, %scan3A_100 : i32
        %get3A_170 = arith.constant 10 : i32
        %get3A_171 = arith.index_cast %get3A_170 : i32 to index
        %get3A_172 = arith.index_cast %mul3A_169 : i32 to index
        %get3A_173 = tpu.vector_load %arg15[%get3A_171, %get3A_172] {strides = array<i32>} : memref<16x640xf32, #tpu.memory_space<vmem>>, vector<16xf32>,
        %add3A_174 = arith.addf %add3A_167, %get3A_173 : vector<16xf32>
        %mul3A_175 = arith.constant 16 : i32
        %mul3A_176 = arith.muli %mul3A_175, %scan3A_100 : i32
        %get3A_177 = arith.constant 11 : i32
        %get3A_178 = arith.index_cast %get3A_177 : i32 to index
        %get3A_179 = arith.index_cast %mul3A_176 : i32 to index
        %get3A_180 = tpu.vector_load %arg15[%get3A_178, %get3A_179] {strides = array<i32>} : memref<16x640xf32, #tpu.memory_space<vmem>>, vector<16xf32>,
        %add3A_181 = arith.addf %add3A_174, %get3A_180 : vector<16xf32>
        %mul3A_182 = arith.constant 16 : i32
        %mul3A_183 = arith.muli %mul3A_182, %scan3A_100 : i32
        %get3A_184 = arith.constant 12 : i32
        %get3A_185 = arith.index_cast %get3A_184 : i32 to index
        %get3A_186 = arith.index_cast %mul3A_183 : i32 to index
        %get3A_187 = tpu.vector_load %arg15[%get3A_185, %get3A_186] {strides = array<i32>} : memref<16x640xf32, #tpu.memory_space<vmem>>, vector<16xf32>,
        %add3A_188 = arith.addf %add3A_181, %get3A_187 : vector<16xf32>
        %mul3A_189 = arith.constant 16 : i32
        %mul3A_190 = arith.muli %mul3A_189, %scan3A_100 : i32
        %get3A_191 = arith.constant 13 : i32
        %get3A_192 = arith.index_cast %get3A_191 : i32 to index
        %get3A_193 = arith.index_cast %mul3A_190 : i32 to index
        %get3A_194 = tpu.vector_load %arg15[%get3A_192, %get3A_193] {strides = array<i32>} : memref<16x640xf32, #tpu.memory_space<vmem>>, vector<16xf32>,
        %add3A_195 = arith.addf %add3A_188, %get3A_194 : vector<16xf32>
        %mul3A_196 = arith.constant 16 : i32
        %mul3A_197 = arith.muli %mul3A_196, %scan3A_100 : i32
        %get3A_198 = arith.constant 14 : i32
        %get3A_199 = arith.index_cast %get3A_198 : i32 to index
        %get3A_200 = arith.index_cast %mul3A_197 : i32 to index
        %get3A_201 = tpu.vector_load %arg15[%get3A_199, %get3A_200] {strides = array<i32>} : memref<16x640xf32, #tpu.memory_space<vmem>>, vector<16xf32>,
        %add3A_202 = arith.addf %add3A_195, %get3A_201 : vector<16xf32>
        %mul3A_203 = arith.constant 16 : i32
        %mul3A_204 = arith.muli %mul3A_203, %scan3A_100 : i32
        %get3A_205 = arith.constant 15 : i32
        %get3A_206 = arith.index_cast %get3A_205 : i32 to index
        %get3A_207 = arith.index_cast %mul3A_204 : i32 to index
        %get3A_208 = tpu.vector_load %arg15[%get3A_206, %get3A_207] {strides = array<i32>} : memref<16x640xf32, #tpu.memory_space<vmem>>, vector<16xf32>,
        %add3A_209 = arith.addf %add3A_202, %get3A_208 : vector<16xf32>
        %mul3A_210 = arith.constant 16 : i32
        %mul3A_211 = arith.muli %mul3A_210, %scan3A_100 : i32
        %get3A_212 = arith.index_cast %mul3A_211 : i32 to index
        %get3A_213 = tpu.vector_load %arg16[%get3A_212] {strides = array<i32>} : memref<640xf32, #tpu.memory_space<vmem>>, vector<16xf32>,
        %mul3A_214 = arith.mulf %add3A_209, %get3A_213 : vector<16xf32>
        %mul3A_215 = arith.constant 16 : i32
        %mul3A_216 = arith.muli %mul3A_215, %scan3A_100 : i32
        %get3A_217 = arith.constant 3 : i32
        %get3A_218 = arith.index_cast %get3A_217 : i32 to index
        %get3A_219 = arith.index_cast %mul3A_216 : i32 to index
        %get3A_220 = tpu.vector_load %arg18[%get3A_218, %get3A_219] {strides = array<i32>} : memref<4x640xf32, #tpu.memory_space<vmem>>, vector<16xf32>,
        %add3A_221 = arith.addf %mul3A_214, %get3A_220 : vector<16xf32>
        %mul3A_222 = arith.constant 16 : i32
        %mul3A_223 = arith.muli %mul3A_222, %scan3A_100 : i32
        %swap3A = arith.index_cast %mul3A_223 : i32 to index
        %swap3A_224 = tpu.vector_load %arg17[%swap3A] {strides = array<i32>} : memref<640xf32, #tpu.memory_space<vmem>>, vector<16xf32>,
        tpu.vector_store %arg17[%swap3A], %add3A_221 {strides = array<i32>} : memref<640xf32, #tpu.memory_space<vmem>>, vector<16xf32>,
      }
      %scan3A_99 = arith.constant 40 : i32
      "tpu.region"() ({
        %run_scoped3A_100 = tpu.sem_alloc : memref<!tpu.dma_semaphore, #tpu.memory_space<semaphore_mem>>
        %dma_start3A = tpu.memref_slice %arg9[%mul3A_0] : memref<10240xf32, #tpu.memory_space<hbm>> -> memref<640xf32, #tpu.memory_space<hbm>>
        %dma_start3A_101 = tpu.memref_slice %arg9[%mul3A_0] : memref<10240xf32, #tpu.memory_space<hbm>> -> memref<640xf32, #tpu.memory_space<hbm>>
        tpu.enqueue_dma source(%arg17 : memref<640xf32, #tpu.memory_space<vmem>>) target(%dma_start3A_101 : memref<640xf32, #tpu.memory_space<hbm>>) target_semaphore(%run_scoped3A_100 : memref<!tpu.dma_semaphore, #tpu.memory_space<semaphore_mem>>)
        %dma_wait3A = tpu.memref_slice %arg9[%mul3A_0] : memref<10240xf32, #tpu.memory_space<hbm>> -> memref<640xf32, #tpu.memory_space<hbm>>
        %dma_wait3A_102 = tpu.memref_slice %arg9[%mul3A_0] : memref<10240xf32, #tpu.memory_space<hbm>> -> memref<640xf32, #tpu.memory_space<hbm>>
        tpu.wait_dma2 semaphore(%run_scoped3A_100 : memref<!tpu.dma_semaphore, #tpu.memory_space<semaphore_mem>>) src(%arg17 : memref<640xf32, #tpu.memory_space<vmem>>) dst(%dma_wait3A_102 : memref<640xf32, #tpu.memory_space<hbm>>)
        tpu.yield
      }) : () -> ()
    } else {
    }
    return
  }
}

module attributes {stable_mosaic.version = 14 : i64} {
  func.func @_z_body(%arg0: memref<10000x128xf32, #tpu.memory_space<vmem>>, %arg1: memref<144x144xf32, #tpu.memory_space<vmem>>, %arg2: memref<144x144xf32, #tpu.memory_space<vmem>>, %arg3: memref<144x144xf32, #tpu.memory_space<vmem>>, %arg4: memref<144x144xf32, #tpu.memory_space<vmem>>, %arg5: memref<144x144xf32, #tpu.memory_space<vmem>>, %arg6: memref<144x144xf32, #tpu.memory_space<vmem>>, %arg7: memref<144x144xf32, #tpu.memory_space<vmem>>, %arg8: memref<144x144xf32, #tpu.memory_space<vmem>>, %arg9: memref<144x144xf32, #tpu.memory_space<vmem>>, %arg10: memref<10240xf32, #tpu.memory_space<vmem>>, %arg11: memref<10240xf32, #tpu.memory_space<vmem>>, %arg12: memref<10240xf32, #tpu.memory_space<vmem>>, %arg13: memref<10240xf32, #tpu.memory_space<vmem>>, %arg14: memref<10240xf32, #tpu.memory_space<vmem>>) attributes {dimension_semantics = [], scalar_prefetch = 0 : i64, scratch_operands = 0 : i64, tpu.core_type = #tpu.core_type<tc>} {
    %get3A = arith.constant 0 : index
    %get3A_0 = arith.constant 0 : index
    %get3A_1 = vector.load %arg2[%get3A, %get3A_0] : memref<144x144xf32, #tpu.memory_space<vmem>>, vector<144x144xf32>
    %get3A_2 = arith.constant 0 : index
    %get3A_3 = arith.constant 0 : index
    %get3A_4 = vector.load %arg3[%get3A_2, %get3A_3] : memref<144x144xf32, #tpu.memory_space<vmem>>, vector<144x144xf32>
    %get3A_5 = arith.constant 0 : index
    %get3A_6 = arith.constant 0 : index
    %get3A_7 = vector.load %arg4[%get3A_5, %get3A_6] : memref<144x144xf32, #tpu.memory_space<vmem>>, vector<144x144xf32>
    %get3A_8 = arith.constant 0 : index
    %get3A_9 = arith.constant 0 : index
    %get3A_10 = vector.load %arg5[%get3A_8, %get3A_9] : memref<144x144xf32, #tpu.memory_space<vmem>>, vector<144x144xf32>
    %get3A_11 = arith.constant 0 : index
    %get3A_12 = arith.constant 0 : index
    %get3A_13 = vector.load %arg6[%get3A_11, %get3A_12] : memref<144x144xf32, #tpu.memory_space<vmem>>, vector<144x144xf32>
    %get3A_14 = arith.constant 0 : index
    %get3A_15 = arith.constant 0 : index
    %get3A_16 = vector.load %arg7[%get3A_14, %get3A_15] : memref<144x144xf32, #tpu.memory_space<vmem>>, vector<144x144xf32>
    %get3A_17 = arith.constant 0 : index
    %get3A_18 = arith.constant 0 : index
    %get3A_19 = vector.load %arg8[%get3A_17, %get3A_18] : memref<144x144xf32, #tpu.memory_space<vmem>>, vector<144x144xf32>
    %get3A_20 = arith.constant 0 : index
    %get3A_21 = arith.constant 0 : index
    %get3A_22 = vector.load %arg9[%get3A_20, %get3A_21] : memref<144x144xf32, #tpu.memory_space<vmem>>, vector<144x144xf32>
    %get3A_23 = arith.constant 0 : index
    %get3A_24 = arith.constant 0 : index
    %get3A_25 = vector.load %arg1[%get3A_23, %get3A_24] : memref<144x144xf32, #tpu.memory_space<vmem>>, vector<144x144xf32>
    %dot_general3A = arith.constant dense<0.000000e+00> : vector<144x144xf32>
    %dot_general3A_26 = tpu.matmul %get3A_25, %get3A_13, %dot_general3A {dimension_numbers = #tpu.dot_dimension_numbers<[1], [0], [0], [1], [0, 0, 1, 1], [], []>, transpose_lhs_hint = false} : vector<144x144xf32>, vector<144x144xf32>, vector<144x144xf32> -> vector<144x144xf32>
    %dot_general3A_27 = arith.constant dense<0.000000e+00> : vector<144x144xf32>
    %dot_general3A_28 = tpu.matmul %get3A_25, %get3A_1, %dot_general3A_27 {dimension_numbers = #tpu.dot_dimension_numbers<[1], [0], [0], [1], [0, 0, 1, 1], [], []>, transpose_lhs_hint = false} : vector<144x144xf32>, vector<144x144xf32>, vector<144x144xf32> -> vector<144x144xf32>
    %dot_general3A_29 = arith.constant dense<0.000000e+00> : vector<144x144xf32>
    %dot_general3A_30 = tpu.matmul %dot_general3A_26, %get3A_16, %dot_general3A_29 {dimension_numbers = #tpu.dot_dimension_numbers<[1], [0], [0], [1], [0, 0, 1, 1], [], []>, transpose_lhs_hint = false} : vector<144x144xf32>, vector<144x144xf32>, vector<144x144xf32> -> vector<144x144xf32>
    %dot_general3A_31 = arith.constant dense<0.000000e+00> : vector<144x144xf32>
    %dot_general3A_32 = tpu.matmul %dot_general3A_28, %get3A_16, %dot_general3A_31 {dimension_numbers = #tpu.dot_dimension_numbers<[1], [0], [0], [1], [0, 0, 1, 1], [], []>, transpose_lhs_hint = false} : vector<144x144xf32>, vector<144x144xf32>, vector<144x144xf32> -> vector<144x144xf32>
    %dot_general3A_33 = arith.constant dense<0.000000e+00> : vector<144x144xf32>
    %dot_general3A_34 = tpu.matmul %dot_general3A_26, %get3A_4, %dot_general3A_33 {dimension_numbers = #tpu.dot_dimension_numbers<[1], [0], [0], [1], [0, 0, 1, 1], [], []>, transpose_lhs_hint = false} : vector<144x144xf32>, vector<144x144xf32>, vector<144x144xf32> -> vector<144x144xf32>
    %add3A = arith.addf %dot_general3A_32, %dot_general3A_34 : vector<144x144xf32>
    %dot_general3A_35 = arith.constant dense<0.000000e+00> : vector<144x144xf32>
    %dot_general3A_36 = tpu.matmul %dot_general3A_28, %get3A_4, %dot_general3A_35 {dimension_numbers = #tpu.dot_dimension_numbers<[1], [0], [0], [1], [0, 0, 1, 1], [], []>, transpose_lhs_hint = false} : vector<144x144xf32>, vector<144x144xf32>, vector<144x144xf32> -> vector<144x144xf32>
    %dot_general3A_37 = arith.constant dense<0.000000e+00> : vector<144x144xf32>
    %dot_general3A_38 = tpu.matmul %dot_general3A_30, %get3A_19, %dot_general3A_37 {dimension_numbers = #tpu.dot_dimension_numbers<[1], [0], [0], [1], [0, 0, 1, 1], [], []>, transpose_lhs_hint = false} : vector<144x144xf32>, vector<144x144xf32>, vector<144x144xf32> -> vector<144x144xf32>
    %dot_general3A_39 = arith.constant dense<0.000000e+00> : vector<144x144xf32>
    %dot_general3A_40 = tpu.matmul %add3A, %get3A_19, %dot_general3A_39 {dimension_numbers = #tpu.dot_dimension_numbers<[1], [0], [0], [1], [0, 0, 1, 1], [], []>, transpose_lhs_hint = false} : vector<144x144xf32>, vector<144x144xf32>, vector<144x144xf32> -> vector<144x144xf32>
    %dot_general3A_41 = arith.constant dense<0.000000e+00> : vector<144x144xf32>
    %dot_general3A_42 = tpu.matmul %dot_general3A_30, %get3A_7, %dot_general3A_41 {dimension_numbers = #tpu.dot_dimension_numbers<[1], [0], [0], [1], [0, 0, 1, 1], [], []>, transpose_lhs_hint = false} : vector<144x144xf32>, vector<144x144xf32>, vector<144x144xf32> -> vector<144x144xf32>
    %add3A_43 = arith.addf %dot_general3A_40, %dot_general3A_42 : vector<144x144xf32>
    %dot_general3A_44 = arith.constant dense<0.000000e+00> : vector<144x144xf32>
    %dot_general3A_45 = tpu.matmul %dot_general3A_36, %get3A_19, %dot_general3A_44 {dimension_numbers = #tpu.dot_dimension_numbers<[1], [0], [0], [1], [0, 0, 1, 1], [], []>, transpose_lhs_hint = false} : vector<144x144xf32>, vector<144x144xf32>, vector<144x144xf32> -> vector<144x144xf32>
    %dot_general3A_46 = arith.constant dense<0.000000e+00> : vector<144x144xf32>
    %dot_general3A_47 = tpu.matmul %add3A, %get3A_7, %dot_general3A_46 {dimension_numbers = #tpu.dot_dimension_numbers<[1], [0], [0], [1], [0, 0, 1, 1], [], []>, transpose_lhs_hint = false} : vector<144x144xf32>, vector<144x144xf32>, vector<144x144xf32> -> vector<144x144xf32>
    %add3A_48 = arith.addf %dot_general3A_45, %dot_general3A_47 : vector<144x144xf32>
    %dot_general3A_49 = arith.constant dense<0.000000e+00> : vector<144x144xf32>
    %dot_general3A_50 = tpu.matmul %dot_general3A_36, %get3A_7, %dot_general3A_49 {dimension_numbers = #tpu.dot_dimension_numbers<[1], [0], [0], [1], [0, 0, 1, 1], [], []>, transpose_lhs_hint = false} : vector<144x144xf32>, vector<144x144xf32>, vector<144x144xf32> -> vector<144x144xf32>
    %dot_general3A_51 = arith.constant dense<0.000000e+00> : vector<144x144xf32>
    %dot_general3A_52 = tpu.matmul %dot_general3A_38, %get3A_22, %dot_general3A_51 {dimension_numbers = #tpu.dot_dimension_numbers<[1], [0], [0], [1], [0, 0, 1, 1], [], []>, transpose_lhs_hint = false} : vector<144x144xf32>, vector<144x144xf32>, vector<144x144xf32> -> vector<144x144xf32>
    %dot_general3A_53 = arith.constant dense<0.000000e+00> : vector<144x144xf32>
    %dot_general3A_54 = tpu.matmul %add3A_43, %get3A_22, %dot_general3A_53 {dimension_numbers = #tpu.dot_dimension_numbers<[1], [0], [0], [1], [0, 0, 1, 1], [], []>, transpose_lhs_hint = false} : vector<144x144xf32>, vector<144x144xf32>, vector<144x144xf32> -> vector<144x144xf32>
    %dot_general3A_55 = arith.constant dense<0.000000e+00> : vector<144x144xf32>
    %dot_general3A_56 = tpu.matmul %dot_general3A_38, %get3A_10, %dot_general3A_55 {dimension_numbers = #tpu.dot_dimension_numbers<[1], [0], [0], [1], [0, 0, 1, 1], [], []>, transpose_lhs_hint = false} : vector<144x144xf32>, vector<144x144xf32>, vector<144x144xf32> -> vector<144x144xf32>
    %add3A_57 = arith.addf %dot_general3A_54, %dot_general3A_56 : vector<144x144xf32>
    %dot_general3A_58 = arith.constant dense<0.000000e+00> : vector<144x144xf32>
    %dot_general3A_59 = tpu.matmul %add3A_48, %get3A_22, %dot_general3A_58 {dimension_numbers = #tpu.dot_dimension_numbers<[1], [0], [0], [1], [0, 0, 1, 1], [], []>, transpose_lhs_hint = false} : vector<144x144xf32>, vector<144x144xf32>, vector<144x144xf32> -> vector<144x144xf32>
    %dot_general3A_60 = arith.constant dense<0.000000e+00> : vector<144x144xf32>
    %dot_general3A_61 = tpu.matmul %add3A_43, %get3A_10, %dot_general3A_60 {dimension_numbers = #tpu.dot_dimension_numbers<[1], [0], [0], [1], [0, 0, 1, 1], [], []>, transpose_lhs_hint = false} : vector<144x144xf32>, vector<144x144xf32>, vector<144x144xf32> -> vector<144x144xf32>
    %add3A_62 = arith.addf %dot_general3A_59, %dot_general3A_61 : vector<144x144xf32>
    %dot_general3A_63 = arith.constant dense<0.000000e+00> : vector<144x144xf32>
    %dot_general3A_64 = tpu.matmul %dot_general3A_50, %get3A_22, %dot_general3A_63 {dimension_numbers = #tpu.dot_dimension_numbers<[1], [0], [0], [1], [0, 0, 1, 1], [], []>, transpose_lhs_hint = false} : vector<144x144xf32>, vector<144x144xf32>, vector<144x144xf32> -> vector<144x144xf32>
    %dot_general3A_65 = arith.constant dense<0.000000e+00> : vector<144x144xf32>
    %dot_general3A_66 = tpu.matmul %add3A_48, %get3A_10, %dot_general3A_65 {dimension_numbers = #tpu.dot_dimension_numbers<[1], [0], [0], [1], [0, 0, 1, 1], [], []>, transpose_lhs_hint = false} : vector<144x144xf32>, vector<144x144xf32>, vector<144x144xf32> -> vector<144x144xf32>
    %add3A_67 = arith.addf %dot_general3A_64, %dot_general3A_66 : vector<144x144xf32>
    %dot_general3A_68 = arith.constant dense<0.000000e+00> : vector<144x144xf32>
    %dot_general3A_69 = tpu.matmul %dot_general3A_50, %get3A_10, %dot_general3A_68 {dimension_numbers = #tpu.dot_dimension_numbers<[1], [0], [0], [1], [0, 0, 1, 1], [], []>, transpose_lhs_hint = false} : vector<144x144xf32>, vector<144x144xf32>, vector<144x144xf32> -> vector<144x144xf32>
    %slice3A = vector.extract_strided_slice %dot_general3A_52 {offsets = [0, 0], sizes = [144, 1], strides = [1, 1]} : vector<144x144xf32> to vector<144x1xf32>
    %slice3A_70 = vector.extract_strided_slice %add3A_57 {offsets = [0, 0], sizes = [144, 1], strides = [1, 1]} : vector<144x144xf32> to vector<144x1xf32>
    %slice3A_71 = vector.extract_strided_slice %add3A_62 {offsets = [0, 0], sizes = [144, 1], strides = [1, 1]} : vector<144x144xf32> to vector<144x1xf32>
    %slice3A_72 = vector.extract_strided_slice %add3A_67 {offsets = [0, 0], sizes = [144, 1], strides = [1, 1]} : vector<144x144xf32> to vector<144x1xf32>
    %slice3A_73 = vector.extract_strided_slice %dot_general3A_69 {offsets = [0, 0], sizes = [144, 1], strides = [1, 1]} : vector<144x144xf32> to vector<144x1xf32>
    %concatenate3A = tpu.concatenate %slice3A, %slice3A_70, %slice3A_71, %slice3A_72, %slice3A_73 in 1 : vector<144x1xf32>, vector<144x1xf32>, vector<144x1xf32>, vector<144x1xf32>, vector<144x1xf32> -> vector<144x5xf32>
    %get3A_74 = arith.constant 0 : index
    %get3A_75 = arith.constant 0 : index
    %get3A_76 = vector.load %arg0[%get3A_74, %get3A_75] : memref<10000x128xf32, #tpu.memory_space<vmem>>, vector<10000x128xf32>
    %slice3A_77 = vector.extract_strided_slice %concatenate3A {offsets = [0, 0], sizes = [128, 5], strides = [1, 1]} : vector<144x5xf32> to vector<128x5xf32>
    %dot_general3A_78 = arith.constant dense<0.000000e+00> : vector<10000x5xf32>
    %dot_general3A_79 = tpu.matmul %get3A_76, %slice3A_77, %dot_general3A_78 {dimension_numbers = #tpu.dot_dimension_numbers<[1], [0], [0], [1], [0, 0, 1, 1], [], []>, transpose_lhs_hint = false} : vector<10000x128xf32>, vector<128x5xf32>, vector<10000x5xf32> -> vector<10000x5xf32>
    %slice3A_80 = vector.extract_strided_slice %concatenate3A {offsets = [128, 0], sizes = [1, 5], strides = [1, 1]} : vector<144x5xf32> to vector<1x5xf32>
    %add3A_81 = vector.broadcast %slice3A_80 : vector<1x5xf32> to vector<10000x5xf32>
    %add3A_82 = arith.addf %dot_general3A_79, %add3A_81 : vector<10000x5xf32>
    %broadcast_in_dim3A = arith.constant 0.000000e+00 : f32
    %broadcast_in_dim3A_83 = vector.broadcast %broadcast_in_dim3A : f32 to vector<240xf32>
    %slice3A_84 = vector.extract_strided_slice %add3A_82 {offsets = [0, 0], sizes = [10000, 1], strides = [1, 1]} : vector<10000x5xf32> to vector<10000x1xf32>
    %squeeze3A = vector.shape_cast %slice3A_84 : vector<10000x1xf32> to vector<10000xf32>
    %concatenate3A_85 = tpu.concatenate %squeeze3A, %broadcast_in_dim3A_83 in 0 : vector<10000xf32>, vector<240xf32> -> vector<10240xf32>
    %swap3A = arith.constant 0 : index
    %swap3A_86 = vector.load %arg14[%swap3A] : memref<10240xf32, #tpu.memory_space<vmem>>, vector<10240xf32>
    tpu.vector_store %arg14[%swap3A], %concatenate3A_85 {strides = array<i32>} : memref<10240xf32, #tpu.memory_space<vmem>>, vector<10240xf32>,
    %slice3A_87 = vector.extract_strided_slice %add3A_82 {offsets = [0, 1], sizes = [10000, 1], strides = [1, 1]} : vector<10000x5xf32> to vector<10000x1xf32>
    %squeeze3A_88 = vector.shape_cast %slice3A_87 : vector<10000x1xf32> to vector<10000xf32>
    %concatenate3A_89 = tpu.concatenate %squeeze3A_88, %broadcast_in_dim3A_83 in 0 : vector<10000xf32>, vector<240xf32> -> vector<10240xf32>
    %swap3A_90 = arith.constant 0 : index
    %swap3A_91 = vector.load %arg13[%swap3A_90] : memref<10240xf32, #tpu.memory_space<vmem>>, vector<10240xf32>
    tpu.vector_store %arg13[%swap3A_90], %concatenate3A_89 {strides = array<i32>} : memref<10240xf32, #tpu.memory_space<vmem>>, vector<10240xf32>,
    %slice3A_92 = vector.extract_strided_slice %add3A_82 {offsets = [0, 2], sizes = [10000, 1], strides = [1, 1]} : vector<10000x5xf32> to vector<10000x1xf32>
    %squeeze3A_93 = vector.shape_cast %slice3A_92 : vector<10000x1xf32> to vector<10000xf32>
    %concatenate3A_94 = tpu.concatenate %squeeze3A_93, %broadcast_in_dim3A_83 in 0 : vector<10000xf32>, vector<240xf32> -> vector<10240xf32>
    %swap3A_95 = arith.constant 0 : index
    %swap3A_96 = vector.load %arg12[%swap3A_95] : memref<10240xf32, #tpu.memory_space<vmem>>, vector<10240xf32>
    tpu.vector_store %arg12[%swap3A_95], %concatenate3A_94 {strides = array<i32>} : memref<10240xf32, #tpu.memory_space<vmem>>, vector<10240xf32>,
    %slice3A_97 = vector.extract_strided_slice %add3A_82 {offsets = [0, 3], sizes = [10000, 1], strides = [1, 1]} : vector<10000x5xf32> to vector<10000x1xf32>
    %squeeze3A_98 = vector.shape_cast %slice3A_97 : vector<10000x1xf32> to vector<10000xf32>
    %concatenate3A_99 = tpu.concatenate %squeeze3A_98, %broadcast_in_dim3A_83 in 0 : vector<10000xf32>, vector<240xf32> -> vector<10240xf32>
    %swap3A_100 = arith.constant 0 : index
    %swap3A_101 = vector.load %arg11[%swap3A_100] : memref<10240xf32, #tpu.memory_space<vmem>>, vector<10240xf32>
    tpu.vector_store %arg11[%swap3A_100], %concatenate3A_99 {strides = array<i32>} : memref<10240xf32, #tpu.memory_space<vmem>>, vector<10240xf32>,
    %slice3A_102 = vector.extract_strided_slice %add3A_82 {offsets = [0, 4], sizes = [10000, 1], strides = [1, 1]} : vector<10000x5xf32> to vector<10000x1xf32>
    %squeeze3A_103 = vector.shape_cast %slice3A_102 : vector<10000x1xf32> to vector<10000xf32>
    %concatenate3A_104 = tpu.concatenate %squeeze3A_103, %broadcast_in_dim3A_83 in 0 : vector<10000xf32>, vector<240xf32> -> vector<10240xf32>
    %swap3A_105 = arith.constant 0 : index
    %swap3A_106 = vector.load %arg10[%swap3A_105] : memref<10240xf32, #tpu.memory_space<vmem>>, vector<10240xf32>
    tpu.vector_store %arg10[%swap3A_105], %concatenate3A_104 {strides = array<i32>} : memref<10240xf32, #tpu.memory_space<vmem>>, vector<10240xf32>,
    return
  }
}

</mosaic_0001>

<sc_bundles>
// kernel: kernel.4.cloned.1.call-start
scs
__scs_entry_jumppad:
0x0: {  	(pc) =	sbr.rel $0x88, $3  }
0x1: {  	(tag) =	ssettag $0x0;
	lr =	simm.s32 $0x1  }
0x2: {  	[smem:$0x3F93] =	sst lr;
	_ =	strace $0xD0000000  }
0x3: {  	_ = 	snop  }
0x4: {  	_ = 	snop  }
0x5: {  	_ = 	snop  }
0x6: {  	_ = 	snop  }
0x7: {  	_ = 	snop  }
__scs_overlays_trampoline_lowered:
0x8: {  	[smem:$0x3FA2] =	sst s0  }
0x9: {  	[smem:$0x3FA3] =	sst s1  }
0xa: {  	[smem:$0x3FA4] =	sst s2  }
0xb: {  	[smem:$0x3FA5] =	sst s3  }
0xc: {  	[smem:$0x3FA6] =	sst s4  }
0xd: {  	[smem:$0x3FA7] =	sst s5  }
0xe: {  	[smem:$0x3FA8] =	sst s6  }
0xf: {  	[smem:$0x3FA9] =	sst s7  }
0x10: {  	[smem:$0x3FAA] =	sst s8  }
0x11: {  	[smem:$0x3FAB] =	sst s9;
	s0 =	simm.s32 @!p0 $0x0  }
0x12: {  	s1 =	sld [smem:$0x3F91];
	s0 =	simm.s32 @p0 $0x1  }
0x13: {  	[smem:$0x3FAC] =	sst s0;
	s0 =	simm.s32 @!p1 $0x0  }
0x14: {  	s2 =	sld [smem:$0x3F90];
	s0 =	simm.s32 @p1 $0x1  }
0x15: {  	[smem:$0x3FAD] =	sst s0;
	s0 =	simm.s32 @!p2 $0x0  }
0x16: {  	s3 =	sld [smem:$0x3FDB];
	s0 =	simm.s32 @p2 $0x1  }
0x17: {  	s4 =	simm.s32 $0x1BF5;
	[smem:$0x3FAF] =	sst s0  }
0x18: {  	s0 =	sld [smem:$0x3F92];
	_ =	swait.ge [sflag:s4], $0x0  }
0x19: {  	s7 =	sld [smem:$0x3F93]  }
0x1a: {  	s8 =	sadd.s32 $0xFFFFE003, lr  }
0x1b: {  	s9 =	sadd.s32 $0xFFFFFEF7, lr;
	s5 =	simm.s32 $0xFFFFFFFF;
	p2 =	slt.u32 s8, $0xFFFFF086  }
0x1c: {  	p1 =	slt.u32 s9, $0xF7A;
	s5 =	simm.s32 @!p2 $0x0  }
0x1d: {  	s5 =	simm.s32 @p1 $0x1;
	p0 =	seq.s32 s7, s2  }
0x1e: {  	s7 =	smul.u32 @!p0 $0xF7A, s2;
	p2 =	seq.s32 @!p0 s5, $0x0  }
0x1f: {  	s9 =	smul.u32 $0xF7A, s1;
	s8 =	simm.s32 @!p0 $0x1BF5;
	p2 =	por !p2, p0  }
0x20: {  	[sflag:s8] =	ssyncset.s32 @!p0 $0xFFFFF086;
	s6 =	sadd.s32 @!p0 s3, s7;
	s7 =	simm.s32 @!p0 $0x108  }
0x21: {  	s3 =	sadd.s32 s3, s9;
	s6 =	sadd.s32 @!p0 $0x88, s6;
	s7 =	simm.s32 @p2 $0x1082  }
0x22: {  	[simem:s7], [sflag:s8] =	dma.local @!p0 [hbm:s6], $0xF7A  }
0x23: {  	s9 =	sor.u32 $0xD0000000, s2;
	s6 =	simm.s32 $0x108;
	_ =	swait.ge @!p0 [sflag:s8], $0x0  }
0x24: {  	s3 =	sadd.s32 $0x88, s3;
	s6 =	simm.s32 @!p1 $0x1082;
	[sflag:s4] =	ssyncset.s32 $0xFFFFF086  }
0x25: {  	[simem:s6], [sflag:s4] =	dma.local [hbm:s3], $0xF7A  }
0x26: {  	[smem:$0x3F93] =	sst s1;
	(tag) =	ssettag s2;
	_ =	strace s9  }
0x27: {  	s1 =	sld [smem:$0x3FA3]  }
0x28: {  	s2 =	sld [smem:$0x3FA4]  }
0x29: {  	s4 =	sld [smem:$0x3FA6]  }
0x2a: {  	p0 =	seq.s32 s5, $0x0;
	s5 =	sld [smem:$0x3FA7]  }
0x2b: {  	s6 =	sld [smem:$0x3FA8]  }
0x2c: {  	s7 =	sld [smem:$0x3FA9]  }
0x2d: {  	s3 =	simm.s32 $0x108;
	s8 =	sld [smem:$0x3FAA]  }
0x2e: {  	s3 =	simm.s32 @!p0 $0x1082;
	s9 =	sld [smem:$0x3FAB]  }
0x2f: {  	lr =	sadd.s32 s0, s3;
	s0 =	sld [smem:$0x3FA2]  }
0x30: {  	s3 =	sld [smem:$0x3FA5]  }
0x31: {  	[smem:$0x3FAE] =	sst s10  }
0x32: {  	s10 =	sld [smem:$0x3FAC];
	_ =	sdelay $0x3  }
0x33: {  	p0 =	seq.s32 s10, $0x1;
	s10 =	sld [smem:$0x3FAE];
	_ =	sdelay $0x3  }
0x34: {  	[smem:$0x3FAE] =	sst s10  }
0x35: {  	s10 =	sld [smem:$0x3FAD];
	_ =	sdelay $0x3  }
0x36: {  	p1 =	seq.s32 s10, $0x1;
	s10 =	sld [smem:$0x3FAE];
	_ =	sdelay $0x3  }
0x37: {  	[smem:$0x3FAE] =	sst s10  }
0x38: {  	s10 =	sld [smem:$0x3FAF]  }
0x39: {  	_ = 	snop;
	(pc) =	sbr.ind lr, $3  }
0x3a: {  	_ = 	snop  }
0x3b: {  	_ = 	snop  }
0x3c: {  	p2 =	seq.s32 s10, $0x1;
	s10 =	sld [smem:$0x3FAE]  }
0x3d: {  	_ =	shalt  }
0x3e: {  	_ =	shalt  }
0x3f: {  	_ =	shalt  }
0x40: {  	_ =	shalt  }
0x41: {  	_ =	shalt  }
0x42: {  	_ =	shalt  }
0x43: {  	_ =	shalt  }
0x44: {  	_ =	shalt  }
0x45: {  	_ =	shalt  }
0x46: {  	_ =	shalt  }
0x47: {  	_ =	shalt  }
0x48: {  	_ =	shalt  }
0x49: {  	_ =	shalt  }
0x4a: {  	_ =	shalt  }
0x4b: {  	_ =	shalt  }
0x4c: {  	_ =	shalt  }
0x4d: {  	_ =	shalt  }
0x4e: {  	_ =	shalt  }
0x4f: {  	_ =	shalt  }
0x50: {  	_ =	shalt  }
0x51: {  	_ =	shalt  }
0x52: {  	_ =	shalt  }
0x53: {  	_ =	shalt  }
0x54: {  	_ =	shalt  }
0x55: {  	_ =	shalt  }
0x56: {  	_ =	shalt  }
0x57: {  	_ =	shalt  }
0x58: {  	_ =	shalt  }
0x59: {  	_ =	shalt  }
0x5a: {  	_ =	shalt  }
0x5b: {  	_ =	shalt  }
0x5c: {  	_ =	shalt  }
0x5d: {  	_ =	shalt  }
0x5e: {  	_ =	shalt  }
0x5f: {  	_ =	shalt  }
0x60: {  	_ =	shalt  }
0x61: {  	_ =	shalt  }
0x62: {  	_ =	shalt  }
0x63: {  	_ =	shalt  }
0x64: {  	_ =	shalt  }
0x65: {  	_ =	shalt  }
0x66: {  	_ =	shalt  }
0x67: {  	_ =	shalt  }
0x68: {  	_ =	shalt  }
0x69: {  	_ =	shalt  }
0x6a: {  	_ =	shalt  }
0x6b: {  	_ =	shalt  }
0x6c: {  	_ =	shalt  }
0x6d: {  	_ =	shalt  }
0x6e: {  	_ =	shalt  }
0x6f: {  	_ =	shalt  }
0x70: {  	_ =	shalt  }
0x71: {  	_ =	shalt  }
0x72: {  	_ =	shalt  }
0x73: {  	_ =	shalt  }
0x74: {  	_ =	shalt  }
0x75: {  	_ =	shalt  }
0x76: {  	_ =	shalt  }
0x77: {  	_ =	shalt  }
0x78: {  	_ =	shalt  }
0x79: {  	_ =	shalt  }
0x7a: {  	_ =	shalt  }
0x7b: {  	_ =	shalt  }
0x7c: {  	_ =	shalt  }
0x7d: {  	_ =	shalt  }
0x7e: {  	_ =	shalt  }
0x7f: {  	_ =	shalt  }
0x80: {  	_ =	shalt  }
0x81: {  	_ =	shalt  }
0x82: {  	_ =	shalt  }
0x83: {  	_ =	shalt  }
0x84: {  	_ =	shalt  }
0x85: {  	_ =	shalt  }
0x86: {  	_ =	shalt  }
0x87: {  	_ =	shalt  }
.Lfunc_end0:
.L_simem_size_0:
called_computation_lowered:
.L_overlay_start_0:
0x88: {  	s2 =	sld [smem:$0x3FD9]  }
0x89: {  	s3 =	sld [smem:$0x3FFE];
	_ =	sdelay $0x1  }
0x8a: {  	s1 =	srdreg.scid  }
0x8b: {  	s0 =	sand.u32 $0x1, s1  }
0x8c: {  	s16 =	sshll.u32 s0, $0xA;
	s2 =	sadd.s32 s3, s2  }
0x8d: {  	s2 =	sadd.s32 s2, s16  }
0x8e: {  	[smem:$0x3FBA] =	sst s2  }
0x8f: {  	_ = 	snop  }
0x90: {  	(tm) =	ssettm $0x1  }
0x91: {  	s17 =	sld [smem:$0x3FFB];
	_ =	sdelay $0x3  }
0x92: {  	_ =	strace s17  }
0x93: {  	s2 =	sld [smem:$0x3FFC];
	_ =	sdelay $0x3  }
0x94: {  	_ =	strace s2  }
0x95: {  	s2 =	sld [smem:$0x3FFD];
	_ =	sdelay $0x3  }
0x96: {  	_ =	strace s2  }
0x97: {  	_ =	strace $0x8FFFFFFF  }
0x98: {  	s18 =	sld [smem:$0x3FDB];
	_ =	sdelay $0x1  }
0x99: {  	s19 =	simm.s32 $_scs_section_size  }
0x9a: {  	s4 =	simm.s32 $_size__tile_overlayer_lowered;
	s5 =	simm.s32 $_tile_overlayer_lowered  }
0x9b: {  	s22 =	simm.s32 $0x1BFF;
	s21 =	sshll.u32 s5, $0x1;
	s2 =	sadd.s32 s19, s18  }
0x9c: {  	s6 =	simm.s32 $0x0;
	s20 =	sshll.u32 s4, $0x1;
	s4 =	sadd.s32 s21, s2  }
0x9d: {  	[timem:s6], [sflag:s22] =	dma.local [hbm:s4], s20  }
0x9e: {  	_ =	swait.ge [sflag:s22], s20  }
0x9f: {  	s3 =	ssub.s32 $0x0, s20;
	[sflag:s22] =	ssyncset.done $0x0  }
0xa0: {  	[sflag:s22] =	ssyncadd.s32 s3;
	_ =	sdelay $0x1  }
0xa1: {  	s23 =	simm.s32 $0x1B8B  }
0xa2: {  	_ =	swait.ge [sflag:s23], $0x1  }
0xa3: {  	[sflag:s23] =	ssyncset.done $0x0  }
0xa4: {  	s25 =	simm.s32 $0x1B8E;
	s24 =	sld [smem:$0x3FFE];
	[sflag:s23] =	ssyncadd.s32 $0xFFFFFFFF  }
0xa5: {  	s26 =	simm.s32 $execute0_lowered;
	[smem:$0x3FD2] =	sst s25  }
0xa6: {  	s4 =	sshll.u32 s26, $0x1;
	_ =	strace $0x80000046;
	[dreg:$0x1] =	wrdreg $0xFFFFFFFF  }
0xa7: {  	s28 =	simm.s32 $_size_execute0_lowered;
	s2 =	sadd.s32 s2, s4;
	[dreg:$0x0] =	wrdreg $0x0  }
0xa8: {  	s4 =	sshll.u32 s28, $0x1;
	[dreg:$0x2] =	wrdreg s2  }
0xa9: {  	[dreg:$0x3] =	wrdreg s4  }
0xaa: {  	[dreg:$0x4] =	wrdreg $0xC0  }
0xab: {  	_ =	task [dreg:s6], $0x5FFFF  }
0xac: {  	[dreg:$0x1] =	wrdreg $0xFFFFFFFF  }
0xad: {  	[dreg:$0x0] =	wrdreg $0x60  }
0xae: {  	[dreg:$0x2] =	wrdreg s24  }
0xaf: {  	[dreg:$0x3] =	wrdreg $0x14F000  }
0xb0: {  	[dreg:$0x4] =	wrdreg $0x177000  }
0xb1: {  	[dreg:$0x5] =	wrdreg $0x9  }
0xb2: {  	_ =	task.clear_ibuf [dreg:s6], $0x6FFFF;
	_ =	strace $0x90000046  }
0xb3: {  	s29 =	simm.s32 $0x9;
	_ =	strace $0x80000048  }
0xb4: {  	_ =	swait.ge [sflag:s29], $0x1  }
0xb5: {  	[sflag:s29] =	ssyncadd.s32 $0xFFFFFFFF  }
0xb6: {  	_ =	strace $0x90000048  }
0xb7: {  	_ =	sfence  }
0xb8: {  	s30 =	sld [smem:$0x0];
	_ =	sdelay $0x2  }
0xb9: {  	s31 =	sshll.u32 s1, $0xD;
	s1 =	sshrl.u32 s1, $0x2  }
0xba: {  	s3 =	sand.u32 $0x4000, s31;
	s1 =	sadd.s32 s1, s30  }
0xbb: {  	s0 =	sor.u32 s3, s0;
	s1 =	sshll.u32 s1, $0x11  }
0xbc: {  	s0 =	sor.u32 s1, s0  }
0xbd: {  	s0 =	sadd.s32 $0x8F2B, s0  }
0xbe: {  	[sflag:s0] =	ssyncadd.remote.s32 $0x1  }
0xbf: {  	_ =	sfence.sel $0xFFFF  }
0xc0: {  	[dreg:$0x0] =	wrdreg $0xFFFFFFFF;
	(pc) =	sbr.abs _section_cstart, $3  }
0xc1: {  	[dreg:$0x1] =	wrdreg $0xFFFFFFFF  }
0xc2: {  	_ =	task.clear_ibuf [dreg:s6], $0x2FFFF;
	_ =	strace $0x9FFFFFFF  }
0xc3: {  	(tm) =	ssettm $0x7FFFFFFF  }
tec
execute0_lowered:
.L_overlay_start_1:
0x0: {  	(tag) =	ssettag $0x1  }
0x1: {  	s1 =	srdreg.scid  }
0x2: {  	s1 =	sand.u32 $0x1, s1  }
0x3: {  	p0 =	seq.s32 s1, $0x1  }
.Ltmp0:
0x4: {  	s4 =	rddreg [dreg:$0x0];
	(pc) =	sbr.rel @p0 .LBB2_30-.Ltmp0, $4  }
0x5: {  	s2 =	rddreg [dreg:$0x1]  }
0x6: {  	s3 =	rddreg [dreg:$0x2];
	s7 =	simm.s32 $0x0  }
0x7: {  	[smem:$0x7FF] =	sst s7  }
0x8: {  	s0 =	rddreg [dreg:$0x3];
	_ =	strace $0x80000047;
	s1 =	stileid.u32  }
0x9: {  	s5 =	sadd.s32 $0x15200, s4;
	s8 =	simm.s32 $0x1  }
0xa: {  	[tilespmem:s7], [sflag:$0x1] =	stream.linear.gather [hbm4b:s5+s7], $0x2800, $0x38;
	[tilespmem:$0x17980] =	vst v63  }
0xb: {  	s17 =	smul.u32 $0xA00, s1;
	_ =	swait.ge [sflag:s8], $0x2800  }
0xc: {  	s6 =	sadd.s32 $0xB200, s4;
	[sflag:s8] =	ssyncset.done $0x0  }
0xd: {  	s9 =	simm.s32 $0x2800;
	s6 =	sadd.s32 s6, s17;
	[sflag:s8] =	ssyncadd.s32 $0xFFFFD800  }
0xe: {  	[tilespmem:s9], [sflag:$0x1] =	stream.linear.gather [hbm4b:s6+s7], $0x5000, $0x38;
	[tilespmem:$0x17980] =	vst v63  }
0xf: {  	_ =	swait.ge [sflag:s8], $0x5000  }
0x10: {  	s18 =	sadd.s32 $0x1200, s4;
	s19 =	smul.u32 $0x280, s1;
	[sflag:s8] =	ssyncset.done $0x0  }
0x11: {  	s20 =	simm.s32 $0x7800;
	s5 =	sadd.s32 s18, s17;
	[sflag:s8] =	ssyncadd.s32 $0xFFFFB000  }
0x12: {  	[tilespmem:s20], [sflag:$0x1] =	stream.linear.gather [hbm4b:s5+s7], $0x5000, $0x38;
	[tilespmem:$0x17980] =	vst v63  }
0x13: {  	_ =	swait.ge [sflag:s8], $0x5000  }
0x14: {  	s21 =	sadd.s32 $0x15800, s4;
	s22 =	sshrl.u32 s19, $0x3;
	[sflag:s8] =	ssyncset.done $0x0  }
0x15: {  	s10 =	simm.s32 $0x14500;
	s5 =	sadd.s32 s21, s22;
	[sflag:s8] =	ssyncadd.s32 $0xFFFFB000  }
0x16: {  	[tilespmem:s10], [sflag:$0x1] =	stream.linear.gather [hbm4b:s5+s7], $0x280, $0x38;
	[tilespmem:$0x17980] =	vst v63  }
0x17: {  	_ =	swait.ge [sflag:s8], $0x280  }
0x18: {  	s23 =	sadd.s32 $0x15E00, s4;
	[sflag:s8] =	ssyncset.done $0x0  }
0x19: {  	s24 =	simm.s32 $0x14780;
	s5 =	sadd.s32 s23, s22;
	[sflag:s8] =	ssyncadd.s32 $0xFFFFFD80  }
0x1a: {  	[tilespmem:s24], [sflag:$0x1] =	stream.linear.gather [hbm4b:s5+s7], $0x280, $0x38;
	[tilespmem:$0x17980] =	vst v63  }
0x1b: {  	_ =	swait.ge [sflag:s8], $0x280  }
0x1c: {  	s25 =	sadd.s32 $0x16400, s4;
	[sflag:s8] =	ssyncset.done $0x0  }
0x1d: {  	s26 =	simm.s32 $0x14A00;
	s5 =	sadd.s32 s25, s22;
	[sflag:s8] =	ssyncadd.s32 $0xFFFFFD80  }
0x1e: {  	[tilespmem:s26], [sflag:$0x1] =	stream.linear.gather [hbm4b:s5+s7], $0x280, $0x38;
	[tilespmem:$0x17980] =	vst v63  }
0x1f: {  	_ =	swait.ge [sflag:s8], $0x280  }
0x20: {  	s28 =	sadd.s32 $0x16A00, s4;
	s29 =	smul.u32 $0xA000, s1;
	[sflag:s8] =	ssyncset.done $0x0  }
0x21: {  	s11 =	simm.s32 $0x14C80;
	s5 =	sadd.s32 s28, s22;
	[sflag:s8] =	ssyncadd.s32 $0xFFFFFD80  }
0x22: {  	[tilespmem:s11], [sflag:$0x1] =	stream.linear.gather [hbm4b:s5+s7], $0x280, $0x38;
	[tilespmem:$0x17980] =	vst v63  }
0x23: {  	s31 =	sshrl.u32 s29, $0x2;
	s30 =	sadd.s32 s22, s4;
	_ =	swait.ge [sflag:s8], $0x280  }
0x24: {  	s4 =	sadd.s32 s19, s2;
	s6 =	sadd.s32 s19, s3;
	[sflag:s8] =	ssyncset.done $0x0  }
0x25: {  	v0 =	vimm.f32 $0.0e+00;
	s5 =	sadd.s32 s31, s2;
	s2 =	sadd.s32 $0x17000, s30;
	[sflag:s8] =	ssyncadd.s32 $0xFFFFFD80  }
.LBB2_2:
0x26: {  	p0 =	sne.s32 s7, $0x9F00  }
.Ltmp1:
0x27: {  	s8 =	sshra.s32 s7, $0x2;
	(pc) =	sbr.rel @p0 .LBB2_2-.Ltmp1, $4  }
0x28: {  	[tilespmem:s8+$0xC800] =	vst v0  }
0x29: {  	[tilespmem:s8+$0xC810] =	vst v0  }
0x2a: {  	[tilespmem:s8+$0xC820] =	vst v0  }
0x2b: {  	s7 =	sadd.s32 $0x100, s7;
	[tilespmem:s8+$0xC830] =	vst v0  }
0x2c: {  	v0 =	vimm.f32 $0.0e+00;
	s7 =	simm.s32 $0x100;
	s8 =	simm.s32 $0x0  }
.LBB2_4:
0x2d: {  	p0 =	sne.s32 s7, $0x9F00;
	[tilespmem:s8+$0xF030] =	vst v0;
	s9 =	smov.u32 s7;
	s7 =	sadd.s32 $0x100, s7  }
.Ltmp2:
0x2e: {  	[tilespmem:s8+$0xF020] =	vst v0;
	(pc) =	sbr.rel @p0 .LBB2_4-.Ltmp2, $3  }
0x2f: {  	[tilespmem:s8+$0xF000] =	vst v0  }
0x30: {  	[tilespmem:s8+$0xF010] =	vst v0;
	_ =	sdelay $0x1  }
0x31: {  	s8 =	sshra.s32 s9, $0x2  }
0x32: {  	[tilespmem:s8+$0xF030] =	vst v0  }
0x33: {  	[tilespmem:s8+$0xF020] =	vst v0  }
0x34: {  	[tilespmem:s8+$0xF000] =	vst v0;
	s7 =	simm.s32 $0x0  }
0x35: {  	[tilespmem:s8+$0xF010] =	vst v0;
	s8 =	simm.s32 $0xC800;
	v0 =	vimm.f32 $1.000000000e+00;
	s9 =	simm.s32 $0xF000;
	s10 =	simm.s32 $0x0  }
.LBB2_6:
0x36: {  	s11 =	sshra.s32 s10, $0x2  }
0x37: {  	v1 =	vld [tilespmem:s11+$0x2800];
	_ =	sdelay $0x4  }
0x38: {  	v2 =	vld [tilespmem:s11+$0x7800];
	_ =	sdelay $0x2  }
0x39: {  	v1 =	vld.idx.msk [tilespmem:v1+s7+$0x0], $0xffff;
	_ =	sdelay $0x4  }
0x3a: {  	[tilespmem:v2+s8+$0x0] =	vst.idx.add.f32.msk $0xffff, v1  }
0x3b: {  	[tilespmem:v2+s9+$0x0] =	vst.idx.add.f32.msk $0xffff, v0  }
0x3c: {  	v1 =	vld [tilespmem:s11+$0x2810];
	_ =	sdelay $0x4  }
0x3d: {  	v2 =	vld [tilespmem:s11+$0x7810];
	_ =	sdelay $0x2  }
0x3e: {  	v1 =	vld.idx.msk [tilespmem:v1+s7+$0x0], $0xffff;
	_ =	sdelay $0x4  }
0x3f: {  	[tilespmem:v2+s8+$0x0] =	vst.idx.add.f32.msk $0xffff, v1  }
0x40: {  	[tilespmem:v2+s9+$0x0] =	vst.idx.add.f32.msk $0xffff, v0  }
0x41: {  	v1 =	vld [tilespmem:s11+$0x2820];
	_ =	sdelay $0x4  }
0x42: {  	v2 =	vld [tilespmem:s11+$0x7820];
	_ =	sdelay $0x2  }
0x43: {  	v1 =	vld.idx.msk [tilespmem:v1+s7+$0x0], $0xffff;
	_ =	sdelay $0x4  }
0x44: {  	[tilespmem:v2+s8+$0x0] =	vst.idx.add.f32.msk $0xffff, v1  }
0x45: {  	[tilespmem:v2+s9+$0x0] =	vst.idx.add.f32.msk $0xffff, v0  }
0x46: {  	v1 =	vld [tilespmem:s11+$0x2830];
	_ =	sdelay $0x4  }
0x47: {  	v2 =	vld [tilespmem:s11+$0x7830];
	_ =	sdelay $0x2  }
0x48: {  	v1 =	vld.idx.msk [tilespmem:v1+s7+$0x0], $0xffff  }
0x49: {  	p0 =	sne.s32 s10, $0x13F00  }
.Ltmp3:
0x4a: {  	_ = 	snop;
	(pc) =	sbr.rel @p0 .LBB2_6-.Ltmp3, $3  }
0x4b: {  	_ =	sdelay $0x1  }
0x4c: {  	[tilespmem:v2+s8+$0x0] =	vst.idx.add.f32.msk $0xffff, v1  }
0x4d: {  	s10 =	sadd.s32 $0x100, s10;
	[tilespmem:v2+s9+$0x0] =	vst.idx.add.f32.msk $0xffff, v0  }
0x4e: {  	s7 =	simm.s32 $0xC800;
	s31 =	simm.s32 $0x1  }
0x4f: {  	[spmem:s5] =	stream.linear.scatter [tilespmem:s7], [sflag:$0x1], $0x2800, $0x38;
	[tilespmem:$0x17980] =	vst v63  }
0x50: {  	_ =	swait.ge [sflag:s31], $0x2800  }
0x51: {  	[sflag:s31] =	ssyncset.done $0x0  }
0x52: {  	s8 =	simm.s32 $0x280;
	[sflag:s31] =	ssyncadd.s32 $0xFFFFD800  }
0x53: {  	s9 =	simm.s32 $0x2800;
	s10 =	simm.s32 $0x11800;
	[bflag:$0x0] =	sbarrier.arrive $0xFFFF  }
0x54: {  	[tilespmem:s10], [sflag:$0x1] =	stream.strided.gather [spmem:s4], $0x2800, s9, s8, $0x38;
	[tilespmem:$0x17980] =	vst v63  }
0x55: {  	_ =	swait.ge [sflag:s31], $0x2800  }
0x56: {  	[sflag:s31] =	ssyncset.done $0x0  }
0x57: {  	s8 =	simm.s32 $0x0;
	[sflag:s31] =	ssyncadd.s32 $0xFFFFD800  }
0x58: {  	v0 =	vld [tilespmem:s8+$0x11800]  }
0x59: {  	v1 =	vld [tilespmem:s8+$0x11A80];
	_ =	sdelay $0x1  }
0x5a: {  	v2 =	vld [tilespmem:s8+$0x11D00];
	_ =	sdelay $0x1  }
0x5b: {  	v3 =	vld [tilespmem:s8+$0x11F80]  }
0x5c: {  	v0 =	vadd.f32 v1, v0  }
0x5d: {  	v1 =	vld [tilespmem:s8+$0x12200]  }
0x5e: {  	v0 =	vadd.f32 v2, v0  }
0x5f: {  	v2 =	vld [tilespmem:s8+$0x12480]  }
0x60: {  	v0 =	vadd.f32 v3, v0  }
0x61: {  	v3 =	vld [tilespmem:s8+$0x12700]  }
0x62: {  	v0 =	vadd.f32 v1, v0  }
0x63: {  	v1 =	vld [tilespmem:s8+$0x12980]  }
0x64: {  	s7 =	simm.s32 $0x10;
	v4 =	vld [tilespmem:s8+$0x12C00];
	v0 =	vadd.f32 v2, v0  }
0x65: {  	v5 =	vld [tilespmem:s7+$0x11800]  }
0x66: {  	v2 =	vld [tilespmem:s8+$0x12E80];
	v0 =	vadd.f32 v3, v0  }
0x67: {  	v3 =	vld [tilespmem:s7+$0x11A80]  }
0x68: {  	v6 =	vld [tilespmem:s7+$0x11D00];
	v0 =	vadd.f32 v1, v0  }
0x69: {  	v1 =	vld [tilespmem:s8+$0x13100]  }
0x6a: {  	v7 =	vld [tilespmem:s7+$0x11F80];
	v0 =	vadd.f32 v4, v0  }
0x6b: {  	v4 =	vld [tilespmem:s8+$0x13380]  }
0x6c: {  	v3 =	vadd.f32 v3, v5;
	v5 =	vld [tilespmem:s7+$0x12200];
	v0 =	vadd.f32 v2, v0  }
0x6d: {  	v2 =	vld [tilespmem:s8+$0x13600]  }
0x6e: {  	v3 =	vadd.f32 v6, v3;
	v6 =	vld [tilespmem:s7+$0x12480];
	v0 =	vadd.f32 v1, v0  }
0x6f: {  	v1 =	vld [tilespmem:s8+$0x13880]  }
0x70: {  	v8 =	vld [tilespmem:s7+$0x12700];
	v3 =	vadd.f32 v7, v3;
	v0 =	vadd.f32 v4, v0  }
0x71: {  	v7 =	vld [tilespmem:s8+$0x13B00]  }
0x72: {  	v4 =	vadd.f32 v5, v3;
	v3 =	vld [tilespmem:s7+$0x12980];
	v5 =	vadd.f32 v2, v0  }
0x73: {  	v2 =	vld [tilespmem:s8+$0x13D80]  }
0x74: {  	v0 =	vld [tilespmem:s7+$0x12E80];
	v6 =	vadd.f32 v6, v4;
	v9 =	vadd.f32 v1, v5  }
0x75: {  	s9 =	simm.s32 $0x20;
	v4 =	vld [tilespmem:s7+$0x12C00]  }
0x76: {  	s10 =	simm.s32 $0xC0;
	v1 =	vld [tilespmem:s9+$0x11800];
	v5 =	vadd.f32 v8, v6;
	v6 =	vadd.f32 v7, v9  }
.LBB2_8:
0x77: {  	p0 =	sne.s32 s10, $0x9C0;
	v7 =	vld [tilespmem:s9+$0x11A80]  }
0x78: {  	v3 =	vadd.f32 v3, v5;
	v5 =	vld [tilespmem:s7+$0x13100];
	v2 =	vadd.f32 v2, v6  }
0x79: {  	v6 =	vld [tilespmem:s9+$0x11D00]  }
0x7a: {  	v3 =	vadd.f32 v4, v3;
	v4 =	vld [tilespmem:s7+$0x13380];
	[tilespmem:s8+$0x14280] =	vst v2;
	s8 =	smov.u32 s7;
	s7 =	smov.u32 s9  }
0x7b: {  	v2 =	vld [tilespmem:s7+$0x11F80]  }
0x7c: {  	v1 =	vadd.f32 v7, v1;
	v0 =	vadd.f32 v0, v3;
	v3 =	vld [tilespmem:s8+$0x13600]  }
0x7d: {  	v7 =	vld [tilespmem:s7+$0x12200]  }
0x7e: {  	v1 =	vadd.f32 v6, v1;
	v0 =	vadd.f32 v5, v0;
	v5 =	vld [tilespmem:s8+$0x13880]  }
0x7f: {  	v6 =	vld [tilespmem:s7+$0x12480]  }
0x80: {  	v1 =	vadd.f32 v2, v1;
	v0 =	vadd.f32 v4, v0;
	v8 =	vld [tilespmem:s8+$0x13B00]  }
0x81: {  	v9 =	vld [tilespmem:s7+$0x12700]  }
.Ltmp4:
0x82: {  	v1 =	vadd.f32 v7, v1;
	v4 =	vadd.f32 v3, v0;
	v2 =	vld [tilespmem:s8+$0x13D80];
	(pc) =	sbr.rel @p0 .LBB2_8-.Ltmp4, $4  }
0x83: {  	v3 =	vld [tilespmem:s7+$0x12980]  }
0x84: {  	v6 =	vadd.f32 v6, v1;
	v0 =	vld [tilespmem:s7+$0x12E80];
	v7 =	vadd.f32 v5, v4  }
0x85: {  	s9 =	sshra.s32 s10, $0x2;
	v4 =	vld [tilespmem:s7+$0x12C00]  }
0x86: {  	s10 =	sadd.s32 $0x40, s10;
	v1 =	vld [tilespmem:s9+$0x11800];
	v5 =	vadd.f32 v9, v6;
	v6 =	vadd.f32 v8, v7  }
0x87: {  	v7 =	vld [tilespmem:s9+$0x11A80]  }
0x88: {  	v8 =	vld [tilespmem:s7+$0x13100];
	v2 =	vadd.f32 v2, v6  }
0x89: {  	v6 =	vld [tilespmem:s9+$0x11D00]  }
0x8a: {  	v9 =	vld [tilespmem:s7+$0x13380];
	v3 =	vadd.f32 v3, v5;
	[tilespmem:s8+$0x14280] =	vst v2  }
0x8b: {  	v2 =	vld [tilespmem:s9+$0x11F80]  }
0x8c: {  	v3 =	vadd.f32 v4, v3;
	v1 =	vadd.f32 v7, v1  }
0x8d: {  	v4 =	vld [tilespmem:s9+$0x12200]  }
0x8e: {  	v5 =	vld [tilespmem:s9+$0x12480];
	v0 =	vadd.f32 v0, v3;
	v1 =	vadd.f32 v6, v1  }
0x8f: {  	v3 =	vld [tilespmem:s7+$0x13600]  }
0x90: {  	v0 =	vadd.f32 v8, v0;
	v6 =	vld [tilespmem:s7+$0x13880];
	v1 =	vadd.f32 v2, v1  }
0x91: {  	v2 =	vld [tilespmem:s9+$0x12700]  }
0x92: {  	v7 =	vld [tilespmem:s7+$0x13B00];
	v0 =	vadd.f32 v9, v0;
	v1 =	vadd.f32 v4, v1  }
0x93: {  	v4 =	vld [tilespmem:s9+$0x12980]  }
0x94: {  	v0 =	vadd.f32 v3, v0;
	v3 =	vld [tilespmem:s7+$0x13D80];
	v1 =	vadd.f32 v5, v1  }
0x95: {  	v5 =	vld [tilespmem:s9+$0x12C00]  }
0x96: {  	v0 =	vadd.f32 v6, v0;
	v1 =	vadd.f32 v2, v1  }
0x97: {  	v2 =	vld [tilespmem:s9+$0x12E80]  }
0x98: {  	v0 =	vadd.f32 v7, v0;
	v1 =	vadd.f32 v4, v1  }
0x99: {  	v4 =	vld [tilespmem:s9+$0x13100]  }
0x9a: {  	v0 =	vadd.f32 v3, v0;
	v1 =	vadd.f32 v5, v1  }
0x9b: {  	v3 =	vld [tilespmem:s9+$0x13380]  }
0x9c: {  	[tilespmem:s7+$0x14280] =	vst v0;
	v0 =	vadd.f32 v2, v1  }
0x9d: {  	v1 =	vld [tilespmem:s9+$0x13600]  }
0x9e: {  	v0 =	vadd.f32 v4, v0  }
0x9f: {  	v2 =	vld [tilespmem:s9+$0x13880]  }
0xa0: {  	v0 =	vadd.f32 v3, v0  }
0xa1: {  	v3 =	vld [tilespmem:s9+$0x13B00]  }
0xa2: {  	v0 =	vadd.f32 v1, v0  }
0xa3: {  	v1 =	vld [tilespmem:s9+$0x13D80]  }
0xa4: {  	v0 =	vadd.f32 v2, v0;
	_ =	sdelay $0x1  }
0xa5: {  	v0 =	vadd.f32 v3, v0;
	_ =	sdelay $0x1  }
0xa6: {  	v0 =	vadd.f32 v1, v0;
	_ =	sdelay $0x1  }
0xa7: {  	[tilespmem:s9+$0x14280] =	vst v0  }
0xa8: {  	s28 =	simm.s32 $0xF000;
	s29 =	simm.s32 $0x1;
	[bflag:$0x0] =	sbarrier.arrive $0xFFFF  }
0xa9: {  	[spmem:s5] =	stream.linear.scatter [tilespmem:s28], [sflag:$0x1], $0x2800, $0x38;
	[tilespmem:$0x17980] =	vst v63  }
0xaa: {  	_ =	swait.ge [sflag:s29], $0x2800  }
0xab: {  	[sflag:s29] =	ssyncset.done $0x0  }
0xac: {  	s30 =	simm.s32 $0x280;
	[sflag:s29] =	ssyncadd.s32 $0xFFFFD800  }
0xad: {  	s31 =	simm.s32 $0x2800;
	s10 =	simm.s32 $0x11800;
	[bflag:$0x0] =	sbarrier.arrive $0xFFFF  }
0xae: {  	[tilespmem:s10], [sflag:$0x1] =	stream.strided.gather [spmem:s4], $0x2800, s31, s30, $0x38;
	[tilespmem:$0x17980] =	vst v63  }
0xaf: {  	_ =	swait.ge [sflag:s29], $0x2800  }
0xb0: {  	[sflag:s29] =	ssyncset.done $0x0  }
0xb1: {  	s8 =	simm.s32 $0x0;
	[sflag:s29] =	ssyncadd.s32 $0xFFFFD800  }
0xb2: {  	v0 =	vld [tilespmem:s8+$0x11800]  }
0xb3: {  	v1 =	vld [tilespmem:s8+$0x11A80];
	_ =	sdelay $0x1  }
0xb4: {  	v2 =	vld [tilespmem:s8+$0x11D00];
	_ =	sdelay $0x1  }
0xb5: {  	v3 =	vld [tilespmem:s8+$0x11F80]  }
0xb6: {  	v0 =	vadd.f32 v1, v0  }
0xb7: {  	v1 =	vld [tilespmem:s8+$0x12200]  }
0xb8: {  	v0 =	vadd.f32 v2, v0  }
0xb9: {  	v2 =	vld [tilespmem:s8+$0x12480]  }
0xba: {  	v0 =	vadd.f32 v3, v0  }
0xbb: {  	v3 =	vld [tilespmem:s8+$0x12700]  }
0xbc: {  	v0 =	vadd.f32 v1, v0  }
0xbd: {  	v1 =	vld [tilespmem:s8+$0x12980]  }
0xbe: {  	v0 =	vadd.f32 v2, v0  }
0xbf: {  	v2 =	vld [tilespmem:s8+$0x12C00]  }
0xc0: {  	s7 =	simm.s32 $0x10;
	v4 =	vld [tilespmem:s8+$0x12E80];
	v0 =	vadd.f32 v3, v0  }
0xc1: {  	v5 =	vld [tilespmem:s7+$0x11800]  }
0xc2: {  	v3 =	vld [tilespmem:s8+$0x13100];
	v0 =	vadd.f32 v1, v0  }
0xc3: {  	v1 =	vld [tilespmem:s7+$0x11A80]  }
0xc4: {  	v6 =	vld [tilespmem:s7+$0x11D00];
	v0 =	vadd.f32 v2, v0  }
0xc5: {  	v2 =	vld [tilespmem:s8+$0x13380]  }
0xc6: {  	v7 =	vld [tilespmem:s7+$0x11F80];
	v0 =	vadd.f32 v4, v0  }
0xc7: {  	v4 =	vld [tilespmem:s8+$0x13600]  }
0xc8: {  	v8 =	vld [tilespmem:s8+$0x13880];
	v1 =	vadd.f32 v1, v5;
	v0 =	vadd.f32 v3, v0  }
0xc9: {  	v3 =	vld [tilespmem:s7+$0x12200]  }
0xca: {  	v5 =	vld [tilespmem:s7+$0x12480];
	v1 =	vadd.f32 v6, v1;
	v0 =	vadd.f32 v2, v0  }
0xcb: {  	v2 =	vld [tilespmem:s8+$0x13B00]  }
0xcc: {  	v6 =	vld [tilespmem:s7+$0x12700];
	v1 =	vadd.f32 v7, v1;
	v0 =	vadd.f32 v4, v0  }
0xcd: {  	v4 =	vld [tilespmem:s8+$0x13D80]  }
0xce: {  	v3 =	vadd.f32 v3, v1;
	v1 =	vld [tilespmem:s8+$0x14500];
	v7 =	vadd.f32 v8, v0  }
0xcf: {  	v8 =	vld [tilespmem:s7+$0x12980]  }
0xd0: {  	v0 =	vld [tilespmem:s7+$0x13880];
	v5 =	vadd.f32 v5, v3;
	v7 =	vadd.f32 v2, v7  }
0xd1: {  	v3 =	vld [tilespmem:s7+$0x12C00]  }
0xd2: {  	v2 =	vld [tilespmem:s7+$0x13100];
	v6 =	vadd.f32 v6, v5;
	v7 =	vadd.f32 v4, v7  }
0xd3: {  	s9 =	simm.s32 $0x20;
	v4 =	vld [tilespmem:s7+$0x12E80]  }
0xd4: {  	s10 =	simm.s32 $0xC0;
	v5 =	vld [tilespmem:s9+$0x11800];
	v6 =	vadd.f32 v8, v6;
	v7 =	vmax.f32 v7, $1.000000000e+00  }
.LBB2_10:
0xd5: {  	p0 =	sne.s32 s10, $0x9C0;
	v8 =	vld [tilespmem:s9+$0x11A80];
	(erf) = vrcp.f32 v7  }
0xd6: {  	v3 =	vadd.f32 v3, v6;
	v6 =	vld [tilespmem:s7+$0x13380]  }
0xd7: {  	v7 =	vld [tilespmem:s9+$0x11D00]  }
0xd8: {  	v3 =	vadd.f32 v4, v3;
	v4 =	vld [tilespmem:s7+$0x13600]  }
0xd9: {  	v9 =	vld [tilespmem:s9+$0x11F80]  }
0xda: {  	v5 =	vadd.f32 v8, v5;
	v2 =	vadd.f32 v2, v3;
	v3 =	vld [tilespmem:s8+$0x14280]  }
0xdb: {  	v8 =	vld [tilespmem:s9+$0x12200]  }
0xdc: {  	v5 =	vadd.f32 v7, v5;
	v2 =	vadd.f32 v6, v2;
	v6 =	vld [tilespmem:s7+$0x13B00]  }
0xdd: {  	v7 =	vld [tilespmem:s9+$0x12480]  }
0xde: {  	v5 =	vadd.f32 v9, v5;
	v2 =	vadd.f32 v4, v2;
	v4 =	vld [tilespmem:s7+$0x13D80];
	v9 =	vpop (erf)  }
0xdf: {  	v10 =	vld [tilespmem:s9+$0x12700];
	[tilespmem:s8+$0x14000] =	vst v9;
	v3 =	vmul.f32 v9, v3  }
0xe0: {  	v5 =	vadd.f32 v8, v5;
	v2 =	vadd.f32 v0, v2;
	v8 =	vld [tilespmem:s7+$0x14500]  }
0xe1: {  	v9 =	vld [tilespmem:s9+$0x12980];
	v1 =	vadd.f32 v3, v1  }
.Ltmp5:
0xe2: {  	v5 =	vadd.f32 v7, v5;
	v0 =	vld [tilespmem:s9+$0x13880];
	v6 =	vadd.f32 v6, v2;
	(pc) =	sbr.rel @p0 .LBB2_10-.Ltmp5, $4  }
0xe3: {  	v3 =	vld [tilespmem:s9+$0x12C00];
	[tilespmem:s8+$0x14280] =	vst v1;
	s8 =	smov.u32 s7;
	s7 =	smov.u32 s9  }
0xe4: {  	v7 =	vadd.f32 v10, v5;
	v2 =	vld [tilespmem:s7+$0x13100];
	v10 =	vadd.f32 v4, v6  }
0xe5: {  	s9 =	sshra.s32 s10, $0x2;
	v4 =	vld [tilespmem:s7+$0x12E80];
	v1 =	vmov v8  }
0xe6: {  	s10 =	sadd.s32 $0x40, s10;
	v5 =	vld [tilespmem:s9+$0x11800];
	v6 =	vadd.f32 v9, v7;
	v7 =	vmax.f32 v10, $1.000000000e+00  }
0xe7: {  	v8 =	vld [tilespmem:s9+$0x11A80]  }
0xe8: {  	(erf) = vrcp.f32 v7  }
0xe9: {  	v9 =	vld [tilespmem:s9+$0x11D00]  }
0xea: {  	v52 =	vld [tilespmem:s7+$0x13380]  }
0xeb: {  	v11 =	vld [tilespmem:s9+$0x11F80]  }
0xec: {  	v12 =	vld [tilespmem:s8+$0x14280];
	v5 =	vadd.f32 v8, v5  }
0xed: {  	v53 =	vld [tilespmem:s9+$0x12200]  }
0xee: {  	v10 =	vld [tilespmem:s7+$0x13600];
	v5 =	vadd.f32 v9, v5  }
0xef: {  	v54 =	vld [tilespmem:s9+$0x12480];
	v3 =	vadd.f32 v3, v6  }
0xf0: {  	v13 =	vld [tilespmem:s7+$0x13B00];
	v5 =	vadd.f32 v11, v5  }
0xf1: {  	v14 =	vld [tilespmem:s9+$0x12700];
	v3 =	vadd.f32 v4, v3;
	v56 =	vpop (erf)  }
0xf2: {  	v55 =	vld [tilespmem:s7+$0x13D80];
	[tilespmem:s8+$0x14000] =	vst v56;
	v57 =	vmul.f32 v56, v12;
	v5 =	vadd.f32 v53, v5  }
0xf3: {  	v2 =	vadd.f32 v2, v3;
	v3 =	vld [tilespmem:s9+$0x12980]  }
0xf4: {  	v58 =	vld [tilespmem:s7+$0x14500];
	v1 =	vadd.f32 v57, v1;
	v59 =	vadd.f32 v54, v5  }
0xf5: {  	v61 =	vld [tilespmem:s9+$0x12C00]  }
0xf6: {  	v2 =	vadd.f32 v52, v2;
	v60 =	vld [tilespmem:s9+$0x13880];
	[tilespmem:s8+$0x14280] =	vst v1;
	v1 =	vadd.f32 v14, v59  }
0xf7: {  	v62 =	vld [tilespmem:s9+$0x12E80]  }
0xf8: {  	v2 =	vadd.f32 v10, v2;
	v1 =	vadd.f32 v3, v1  }
0xf9: {  	v3 =	vld [tilespmem:s9+$0x13100]  }
0xfa: {  	v0 =	vadd.f32 v0, v2;
	v1 =	vadd.f32 v61, v1  }
0xfb: {  	v2 =	vld [tilespmem:s9+$0x13380]  }
0xfc: {  	v0 =	vadd.f32 v13, v0;
	v1 =	vadd.f32 v62, v1  }
0xfd: {  	v63 =	vld [tilespmem:s9+$0x13600]  }
0xfe: {  	v0 =	vadd.f32 v55, v0;
	v1 =	vadd.f32 v3, v1;
	_ =	sdelay $0x1  }
0xff: {  	v0 =	vmax.f32 v0, $1.000000000e+00;
	v1 =	vadd.f32 v2, v1  }
0x100: {  	(erf) = vrcp.f32 v0;
	v0 =	vld [tilespmem:s9+$0x13B00]  }
0x101: {  	v1 =	vadd.f32 v63, v1  }
0x102: {  	v2 =	vld [tilespmem:s9+$0x13D80]  }
0x103: {  	v1 =	vadd.f32 v60, v1;
	_ =	sdelay $0x1  }
0x104: {  	v3 =	vld [tilespmem:s7+$0x14280];
	v0 =	vadd.f32 v0, v1;
	_ =	sdelay $0x1  }
0x105: {  	v0 =	vadd.f32 v2, v0;
	_ =	sdelay $0x1  }
0x106: {  	v1 =	vpop (erf);
	v0 =	vmax.f32 v0, $1.000000000e+00  }
0x107: {  	v2 =	vmul.f32 v1, v3;
	(erf) = vrcp.f32 v0;
	_ =	sdelay $0x1  }
0x108: {  	v0 =	vadd.f32 v2, v58  }
0x109: {  	[tilespmem:s7+$0x14000] =	vst v1  }
0x10a: {  	v1 =	vld [tilespmem:s9+$0x14500];
	[tilespmem:s7+$0x14280] =	vst v0  }
0x10b: {  	v0 =	vld [tilespmem:s9+$0x14280];
	_ =	sdelay $0x3  }
0x10c: {  	v2 =	vpop (erf)  }
0x10d: {  	v0 =	vmul.f32 v2, v0;
	_ =	sdelay $0x1  }
0x10e: {  	v0 =	vadd.f32 v0, v1  }
0x10f: {  	[tilespmem:s9+$0x14000] =	vst v2  }
0x110: {  	s29 =	simm.s32 $0x14280;
	s30 =	simm.s32 $0x1;
	[tilespmem:s9+$0x14280] =	vst v0  }
0x111: {  	[spmem:s6] =	stream.linear.scatter [tilespmem:s29], [sflag:$0x1], $0x280, $0x38;
	[tilespmem:$0x17980] =	vst v63  }
0x112: {  	_ =	swait.ge [sflag:s30], $0x280  }
0x113: {  	[sflag:s30] =	ssyncset.done $0x0  }
0x114: {  	[sflag:s30] =	ssyncadd.s32 $0xFFFFFD80  }
0x115: {  	s31 =	simm.s32 $0x0;
	[bflag:$0x0] =	sbarrier.arrive $0xFFFF  }
0x116: {  	[tilespmem:s31], [sflag:$0x1] =	stream.linear.gather [spmem:s3], $0x2800, $0x38;
	[tilespmem:$0x17980] =	vst v63  }
0x117: {  	_ =	swait.ge [sflag:s30], $0x2800  }
0x118: {  	[sflag:s30] =	ssyncset.done $0x0  }
0x119: {  	s8 =	simm.s32 $0x100;
	s7 =	simm.s32 $0x0;
	v0 =	vimm.f32 $0.0e+00;
	[sflag:s30] =	ssyncadd.s32 $0xFFFFD800  }
.LBB2_12:
0x11a: {  	p0 =	sne.s32 s8, $0x9F00;
	[tilespmem:s7+$0xC830] =	vst v0;
	s9 =	smov.u32 s8;
	s8 =	sadd.s32 $0x100, s8  }
.Ltmp6:
0x11b: {  	[tilespmem:s7+$0xC820] =	vst v0;
	(pc) =	sbr.rel @p0 .LBB2_12-.Ltmp6, $3  }
0x11c: {  	[tilespmem:s7+$0xC800] =	vst v0  }
0x11d: {  	[tilespmem:s7+$0xC810] =	vst v0;
	_ =	sdelay $0x1  }
0x11e: {  	s7 =	sshra.s32 s9, $0x2  }
0x11f: {  	[tilespmem:s7+$0xC830] =	vst v0  }
0x120: {  	[tilespmem:s7+$0xC820] =	vst v0  }
0x121: {  	[tilespmem:s7+$0xC800] =	vst v0  }
0x122: {  	[tilespmem:s7+$0xC810] =	vst v0;
	s7 =	simm.s32 $0x0;
	s8 =	simm.s32 $0xC800;
	s9 =	simm.s32 $0x0  }
.LBB2_14:
0x123: {  	s10 =	sshra.s32 s9, $0x2  }
0x124: {  	v0 =	vld [tilespmem:s10+$0x2800];
	_ =	sdelay $0x4  }
0x125: {  	v1 =	vld [tilespmem:s10+$0x7800];
	_ =	sdelay $0x2  }
0x126: {  	v0 =	vld.idx.msk [tilespmem:v0+s7+$0x0], $0xffff;
	_ =	sdelay $0x4  }
0x127: {  	[tilespmem:v1+s8+$0x0] =	vst.idx.add.f32.msk $0xffff, v0  }
0x128: {  	v0 =	vld [tilespmem:s10+$0x2810];
	_ =	sdelay $0x4  }
0x129: {  	v1 =	vld [tilespmem:s10+$0x7810];
	_ =	sdelay $0x2  }
0x12a: {  	v0 =	vld.idx.msk [tilespmem:v0+s7+$0x0], $0xffff;
	_ =	sdelay $0x4  }
0x12b: {  	[tilespmem:v1+s8+$0x0] =	vst.idx.add.f32.msk $0xffff, v0  }
0x12c: {  	v0 =	vld [tilespmem:s10+$0x2820];
	_ =	sdelay $0x4  }
0x12d: {  	v1 =	vld [tilespmem:s10+$0x7820];
	_ =	sdelay $0x2  }
0x12e: {  	v0 =	vld.idx.msk [tilespmem:v0+s7+$0x0], $0xffff;
	_ =	sdelay $0x4  }
0x12f: {  	[tilespmem:v1+s8+$0x0] =	vst.idx.add.f32.msk $0xffff, v0  }
0x130: {  	v0 =	vld [tilespmem:s10+$0x2830];
	_ =	sdelay $0x4  }
0x131: {  	v1 =	vld [tilespmem:s10+$0x7830];
	_ =	sdelay $0x2  }
0x132: {  	p0 =	sne.s32 s9, $0x13F00;
	v0 =	vld.idx.msk [tilespmem:v0+s7+$0x0], $0xffff  }
.Ltmp7:
0x133: {  	_ = 	snop;
	(pc) =	sbr.rel @p0 .LBB2_14-.Ltmp7, $2  }
0x134: {  	_ =	sdelay $0x2  }
0x135: {  	s9 =	sadd.s32 $0x100, s9;
	[tilespmem:v1+s8+$0x0] =	vst.idx.add.f32.msk $0xffff, v0  }
0x136: {  	s7 =	simm.s32 $0xC800;
	s31 =	simm.s32 $0x1  }
0x137: {  	[spmem:s5] =	stream.linear.scatter [tilespmem:s7], [sflag:$0x1], $0x2800, $0x38;
	[tilespmem:$0x17980] =	vst v63  }
0x138: {  	_ =	swait.ge [sflag:s31], $0x2800  }
0x139: {  	[sflag:s31] =	ssyncset.done $0x0  }
0x13a: {  	s8 =	simm.s32 $0x280;
	[sflag:s31] =	ssyncadd.s32 $0xFFFFD800  }
0x13b: {  	s9 =	simm.s32 $0x2800;
	s10 =	simm.s32 $0x11800;
	[bflag:$0x0] =	sbarrier.arrive $0xFFFF  }
0x13c: {  	[tilespmem:s10], [sflag:$0x1] =	stream.strided.gather [spmem:s4], $0x2800, s9, s8, $0x38;
	[tilespmem:$0x17980] =	vst v63  }
0x13d: {  	_ =	swait.ge [sflag:s31], $0x2800  }
0x13e: {  	[sflag:s31] =	ssyncset.done $0x0  }
0x13f: {  	s8 =	simm.s32 $0x0;
	[sflag:s31] =	ssyncadd.s32 $0xFFFFD800  }
0x140: {  	v0 =	vld [tilespmem:s8+$0x11800]  }
0x141: {  	v1 =	vld [tilespmem:s8+$0x11A80];
	_ =	sdelay $0x1  }
0x142: {  	v2 =	vld [tilespmem:s8+$0x11D00];
	_ =	sdelay $0x1  }
0x143: {  	v3 =	vld [tilespmem:s8+$0x11F80]  }
0x144: {  	v0 =	vadd.f32 v1, v0  }
0x145: {  	v1 =	vld [tilespmem:s8+$0x12200]  }
0x146: {  	v0 =	vadd.f32 v2, v0  }
0x147: {  	v2 =	vld [tilespmem:s8+$0x12480]  }
0x148: {  	v0 =	vadd.f32 v3, v0  }
0x149: {  	v3 =	vld [tilespmem:s8+$0x12700]  }
0x14a: {  	v0 =	vadd.f32 v1, v0  }
0x14b: {  	v1 =	vld [tilespmem:s8+$0x12980]  }
0x14c: {  	v0 =	vadd.f32 v2, v0  }
0x14d: {  	v2 =	vld [tilespmem:s8+$0x12C00]  }
0x14e: {  	s7 =	simm.s32 $0x10;
	v4 =	vld [tilespmem:s8+$0x12E80];
	v0 =	vadd.f32 v3, v0  }
0x14f: {  	v5 =	vld [tilespmem:s7+$0x11800]  }
0x150: {  	v3 =	vld [tilespmem:s8+$0x13100];
	v0 =	vadd.f32 v1, v0  }
0x151: {  	v1 =	vld [tilespmem:s7+$0x11A80]  }
0x152: {  	v6 =	vld [tilespmem:s7+$0x11D00];
	v0 =	vadd.f32 v2, v0  }
0x153: {  	v2 =	vld [tilespmem:s8+$0x13380]  }
0x154: {  	v7 =	vld [tilespmem:s7+$0x11F80];
	v0 =	vadd.f32 v4, v0  }
0x155: {  	v4 =	vld [tilespmem:s8+$0x13600]  }
0x156: {  	v1 =	vadd.f32 v1, v5;
	v5 =	vld [tilespmem:s7+$0x12200];
	v0 =	vadd.f32 v3, v0  }
0x157: {  	v3 =	vld [tilespmem:s8+$0x13880]  }
0x158: {  	v1 =	vadd.f32 v6, v1;
	v6 =	vld [tilespmem:s7+$0x12480];
	v0 =	vadd.f32 v2, v0  }
0x159: {  	v2 =	vld [tilespmem:s8+$0x13B00]  }
0x15a: {  	v1 =	vadd.f32 v7, v1;
	v7 =	vld [tilespmem:s7+$0x12700];
	v0 =	vadd.f32 v4, v0  }
0x15b: {  	v4 =	vld [tilespmem:s8+$0x13D80]  }
0x15c: {  	v8 =	vld [tilespmem:s8+$0x14000];
	v1 =	vadd.f32 v5, v1;
	v0 =	vadd.f32 v3, v0  }
0x15d: {  	v5 =	vld [tilespmem:s7+$0x12980]  }
0x15e: {  	v3 =	vld [tilespmem:s7+$0x12C00];
	v1 =	vadd.f32 v6, v1;
	v6 =	vadd.f32 v2, v0  }
0x15f: {  	v2 =	vld [tilespmem:s8+$0x14780]  }
0x160: {  	v0 =	vld [tilespmem:s7+$0x13100];
	v7 =	vadd.f32 v7, v1;
	v6 =	vadd.f32 v4, v6  }
0x161: {  	s9 =	simm.s32 $0x20;
	v4 =	vld [tilespmem:s7+$0x12E80]  }
0x162: {  	s10 =	simm.s32 $0xC0;
	v1 =	vld [tilespmem:s9+$0x11800];
	v5 =	vadd.f32 v5, v7;
	v6 =	vmul.f32 v8, v6  }
.LBB2_16:
0x163: {  	p0 =	sne.s32 s10, $0x9C0;
	v7 =	vld [tilespmem:s9+$0x11A80]  }
0x164: {  	v3 =	vadd.f32 v3, v5;
	v5 =	vld [tilespmem:s7+$0x13380];
	v2 =	vadd.f32 v2, v6  }
0x165: {  	v6 =	vld [tilespmem:s9+$0x11D00]  }
0x166: {  	v3 =	vadd.f32 v4, v3;
	v4 =	vld [tilespmem:s7+$0x13600];
	[tilespmem:s8+$0x14280] =	vst v2;
	s8 =	smov.u32 s7;
	s7 =	smov.u32 s9  }
0x167: {  	v2 =	vld [tilespmem:s7+$0x11F80]  }
0x168: {  	v1 =	vadd.f32 v7, v1;
	v0 =	vadd.f32 v0, v3;
	v3 =	vld [tilespmem:s8+$0x13880]  }
0x169: {  	v7 =	vld [tilespmem:s7+$0x12200]  }
0x16a: {  	v1 =	vadd.f32 v6, v1;
	v0 =	vadd.f32 v5, v0;
	v5 =	vld [tilespmem:s8+$0x13B00]  }
0x16b: {  	v6 =	vld [tilespmem:s7+$0x12480]  }
0x16c: {  	v1 =	vadd.f32 v2, v1;
	v0 =	vadd.f32 v4, v0;
	v4 =	vld [tilespmem:s8+$0x13D80]  }
0x16d: {  	v8 =	vld [tilespmem:s7+$0x12700]  }
0x16e: {  	v1 =	vadd.f32 v7, v1;
	v0 =	vadd.f32 v3, v0;
	v7 =	vld [tilespmem:s8+$0x14000]  }
0x16f: {  	v9 =	vld [tilespmem:s7+$0x12980]  }
.Ltmp8:
0x170: {  	v1 =	vadd.f32 v6, v1;
	v5 =	vadd.f32 v5, v0;
	v2 =	vld [tilespmem:s8+$0x14780];
	(pc) =	sbr.rel @p0 .LBB2_16-.Ltmp8, $4  }
0x171: {  	v3 =	vld [tilespmem:s7+$0x12C00]  }
0x172: {  	v6 =	vadd.f32 v8, v1;
	v0 =	vld [tilespmem:s7+$0x13100];
	v8 =	vadd.f32 v4, v5  }
0x173: {  	s9 =	sshra.s32 s10, $0x2;
	v4 =	vld [tilespmem:s7+$0x12E80]  }
0x174: {  	s10 =	sadd.s32 $0x40, s10;
	v1 =	vld [tilespmem:s9+$0x11800];
	v5 =	vadd.f32 v9, v6;
	v6 =	vmul.f32 v7, v8  }
0x175: {  	v7 =	vld [tilespmem:s9+$0x11A80]  }
0x176: {  	v8 =	vld [tilespmem:s7+$0x13380];
	v2 =	vadd.f32 v2, v6  }
0x177: {  	v55 =	vld [tilespmem:s9+$0x11D00]  }
0x178: {  	v9 =	vld [tilespmem:s7+$0x13600];
	v3 =	vadd.f32 v3, v5;
	[tilespmem:s8+$0x14280] =	vst v2  }
0x179: {  	v2 =	vld [tilespmem:s9+$0x11F80]  }
0x17a: {  	v3 =	vadd.f32 v4, v3;
	v1 =	vadd.f32 v7, v1  }
0x17b: {  	v56 =	vld [tilespmem:s9+$0x12200]  }
0x17c: {  	v57 =	vld [tilespmem:s9+$0x12480];
	v0 =	vadd.f32 v0, v3;
	v1 =	vadd.f32 v55, v1  }
0x17d: {  	v3 =	vld [tilespmem:s7+$0x13880]  }
0x17e: {  	v58 =	vld [tilespmem:s7+$0x13B00];
	v0 =	vadd.f32 v8, v0;
	v1 =	vadd.f32 v2, v1  }
0x17f: {  	v2 =	vld [tilespmem:s9+$0x12700]  }
0x180: {  	v59 =	vld [tilespmem:s7+$0x13D80];
	v0 =	vadd.f32 v9, v0;
	v1 =	vadd.f32 v56, v1  }
0x181: {  	v60 =	vld [tilespmem:s9+$0x12980]  }
0x182: {  	v61 =	vld [tilespmem:s9+$0x12C00];
	v0 =	vadd.f32 v3, v0;
	v1 =	vadd.f32 v57, v1  }
0x183: {  	v3 =	vld [tilespmem:s7+$0x14000]  }
0x184: {  	v62 =	vld [tilespmem:s7+$0x14780];
	v0 =	vadd.f32 v58, v0;
	v1 =	vadd.f32 v2, v1  }
0x185: {  	v2 =	vld [tilespmem:s9+$0x12E80]  }
0x186: {  	v0 =	vadd.f32 v59, v0;
	v1 =	vadd.f32 v60, v1  }
0x187: {  	v63 =	vld [tilespmem:s9+$0x13100]  }
0x188: {  	v0 =	vmul.f32 v3, v0;
	v1 =	vadd.f32 v61, v1  }
0x189: {  	v3 =	vld [tilespmem:s9+$0x13380]  }
0x18a: {  	v0 =	vadd.f32 v62, v0;
	v1 =	vadd.f32 v2, v1  }
0x18b: {  	v2 =	vld [tilespmem:s9+$0x13600]  }
0x18c: {  	[tilespmem:s7+$0x14280] =	vst v0;
	v0 =	vadd.f32 v63, v1  }
0x18d: {  	v1 =	vld [tilespmem:s9+$0x13880]  }
0x18e: {  	v0 =	vadd.f32 v3, v0  }
0x18f: {  	v3 =	vld [tilespmem:s9+$0x13B00]  }
0x190: {  	v0 =	vadd.f32 v2, v0  }
0x191: {  	v2 =	vld [tilespmem:s9+$0x13D80]  }
0x192: {  	v0 =	vadd.f32 v1, v0  }
0x193: {  	v1 =	vld [tilespmem:s9+$0x14000]  }
0x194: {  	v0 =	vadd.f32 v3, v0  }
0x195: {  	v3 =	vld [tilespmem:s9+$0x14780]  }
0x196: {  	v0 =	vadd.f32 v2, v0;
	_ =	sdelay $0x1  }
0x197: {  	v0 =	vmul.f32 v1, v0;
	_ =	sdelay $0x1  }
0x198: {  	v0 =	vadd.f32 v3, v0;
	_ =	sdelay $0x1  }
0x199: {  	s29 =	simm.s32 $0x14280;
	s30 =	simm.s32 $0x1;
	[tilespmem:s9+$0x14280] =	vst v0  }
0x19a: {  	[spmem:s6] =	stream.linear.scatter [tilespmem:s29], [sflag:$0x1], $0x280, $0x38;
	[tilespmem:$0x17980] =	vst v63  }
0x19b: {  	_ =	swait.ge [sflag:s30], $0x280  }
0x19c: {  	[sflag:s30] =	ssyncset.done $0x0  }
0x19d: {  	[sflag:s30] =	ssyncadd.s32 $0xFFFFFD80  }
0x19e: {  	s31 =	simm.s32 $0x0;
	[bflag:$0x0] =	sbarrier.arrive $0xFFFF  }
0x19f: {  	[tilespmem:s31], [sflag:$0x1] =	stream.linear.gather [spmem:s3], $0x2800, $0x38;
	[tilespmem:$0x17980] =	vst v63  }
0x1a0: {  	_ =	swait.ge [sflag:s30], $0x2800  }
0x1a1: {  	[sflag:s30] =	ssyncset.done $0x0  }
0x1a2: {  	s8 =	simm.s32 $0x100;
	s7 =	simm.s32 $0x0;
	v0 =	vimm.f32 $0.0e+00;
	[sflag:s30] =	ssyncadd.s32 $0xFFFFD800  }
.LBB2_18:
0x1a3: {  	p0 =	sne.s32 s8, $0x9F00;
	[tilespmem:s7+$0xC830] =	vst v0;
	s9 =	smov.u32 s8;
	s8 =	sadd.s32 $0x100, s8  }
.Ltmp9:
0x1a4: {  	[tilespmem:s7+$0xC820] =	vst v0;
	(pc) =	sbr.rel @p0 .LBB2_18-.Ltmp9, $3  }
0x1a5: {  	[tilespmem:s7+$0xC800] =	vst v0  }
0x1a6: {  	[tilespmem:s7+$0xC810] =	vst v0;
	_ =	sdelay $0x1  }
0x1a7: {  	s7 =	sshra.s32 s9, $0x2  }
0x1a8: {  	[tilespmem:s7+$0xC830] =	vst v0  }
0x1a9: {  	[tilespmem:s7+$0xC820] =	vst v0  }
0x1aa: {  	[tilespmem:s7+$0xC800] =	vst v0  }
0x1ab: {  	[tilespmem:s7+$0xC810] =	vst v0;
	s7 =	simm.s32 $0x0;
	s8 =	simm.s32 $0xC800;
	s9 =	simm.s32 $0x0  }
.LBB2_20:
0x1ac: {  	s10 =	sshra.s32 s9, $0x2  }
0x1ad: {  	v0 =	vld [tilespmem:s10+$0x2800];
	_ =	sdelay $0x4  }
0x1ae: {  	v1 =	vld [tilespmem:s10+$0x7800];
	_ =	sdelay $0x2  }
0x1af: {  	v0 =	vld.idx.msk [tilespmem:v0+s7+$0x0], $0xffff;
	_ =	sdelay $0x4  }
0x1b0: {  	[tilespmem:v1+s8+$0x0] =	vst.idx.add.f32.msk $0xffff, v0  }
0x1b1: {  	v0 =	vld [tilespmem:s10+$0x2810];
	_ =	sdelay $0x4  }
0x1b2: {  	v1 =	vld [tilespmem:s10+$0x7810];
	_ =	sdelay $0x2  }
0x1b3: {  	v0 =	vld.idx.msk [tilespmem:v0+s7+$0x0], $0xffff;
	_ =	sdelay $0x4  }
0x1b4: {  	[tilespmem:v1+s8+$0x0] =	vst.idx.add.f32.msk $0xffff, v0  }
0x1b5: {  	v0 =	vld [tilespmem:s10+$0x2820];
	_ =	sdelay $0x4  }
0x1b6: {  	v1 =	vld [tilespmem:s10+$0x7820];
	_ =	sdelay $0x2  }
0x1b7: {  	v0 =	vld.idx.msk [tilespmem:v0+s7+$0x0], $0xffff;
	_ =	sdelay $0x4  }
0x1b8: {  	[tilespmem:v1+s8+$0x0] =	vst.idx.add.f32.msk $0xffff, v0  }
0x1b9: {  	v0 =	vld [tilespmem:s10+$0x2830];
	_ =	sdelay $0x4  }
0x1ba: {  	v1 =	vld [tilespmem:s10+$0x7830];
	_ =	sdelay $0x2  }
0x1bb: {  	p0 =	sne.s32 s9, $0x13F00;
	v0 =	vld.idx.msk [tilespmem:v0+s7+$0x0], $0xffff  }
.Ltmp10:
0x1bc: {  	_ = 	snop;
	(pc) =	sbr.rel @p0 .LBB2_20-.Ltmp10, $2  }
0x1bd: {  	_ =	sdelay $0x2  }
0x1be: {  	s9 =	sadd.s32 $0x100, s9;
	[tilespmem:v1+s8+$0x0] =	vst.idx.add.f32.msk $0xffff, v0  }
0x1bf: {  	s7 =	simm.s32 $0xC800;
	s31 =	simm.s32 $0x1  }
0x1c0: {  	[spmem:s5] =	stream.linear.scatter [tilespmem:s7], [sflag:$0x1], $0x2800, $0x38;
	[tilespmem:$0x17980] =	vst v63  }
0x1c1: {  	_ =	swait.ge [sflag:s31], $0x2800  }
0x1c2: {  	[sflag:s31] =	ssyncset.done $0x0  }
0x1c3: {  	s8 =	simm.s32 $0x280;
	[sflag:s31] =	ssyncadd.s32 $0xFFFFD800  }
0x1c4: {  	s9 =	simm.s32 $0x2800;
	s10 =	simm.s32 $0x11800;
	[bflag:$0x0] =	sbarrier.arrive $0xFFFF  }
0x1c5: {  	[tilespmem:s10], [sflag:$0x1] =	stream.strided.gather [spmem:s4], $0x2800, s9, s8, $0x38;
	[tilespmem:$0x17980] =	vst v63  }
0x1c6: {  	_ =	swait.ge [sflag:s31], $0x2800  }
0x1c7: {  	[sflag:s31] =	ssyncset.done $0x0  }
0x1c8: {  	s8 =	simm.s32 $0x0;
	[sflag:s31] =	ssyncadd.s32 $0xFFFFD800  }
0x1c9: {  	v0 =	vld [tilespmem:s8+$0x11800]  }
0x1ca: {  	v1 =	vld [tilespmem:s8+$0x11A80];
	_ =	sdelay $0x1  }
0x1cb: {  	v2 =	vld [tilespmem:s8+$0x11D00];
	_ =	sdelay $0x1  }
0x1cc: {  	v3 =	vld [tilespmem:s8+$0x11F80]  }
0x1cd: {  	v0 =	vadd.f32 v1, v0  }
0x1ce: {  	v1 =	vld [tilespmem:s8+$0x12200]  }
0x1cf: {  	v0 =	vadd.f32 v2, v0  }
0x1d0: {  	v2 =	vld [tilespmem:s8+$0x12480]  }
0x1d1: {  	v0 =	vadd.f32 v3, v0  }
0x1d2: {  	v3 =	vld [tilespmem:s8+$0x12700]  }
0x1d3: {  	v0 =	vadd.f32 v1, v0  }
0x1d4: {  	v1 =	vld [tilespmem:s8+$0x12980]  }
0x1d5: {  	v0 =	vadd.f32 v2, v0  }
0x1d6: {  	v2 =	vld [tilespmem:s8+$0x12C00]  }
0x1d7: {  	s7 =	simm.s32 $0x10;
	v4 =	vld [tilespmem:s8+$0x12E80];
	v0 =	vadd.f32 v3, v0  }
0x1d8: {  	v5 =	vld [tilespmem:s7+$0x11800]  }
0x1d9: {  	v3 =	vld [tilespmem:s8+$0x13100];
	v0 =	vadd.f32 v1, v0  }
0x1da: {  	v1 =	vld [tilespmem:s7+$0x11A80]  }
0x1db: {  	v6 =	vld [tilespmem:s7+$0x11D00];
	v0 =	vadd.f32 v2, v0  }
0x1dc: {  	v2 =	vld [tilespmem:s8+$0x13380]  }
0x1dd: {  	v7 =	vld [tilespmem:s7+$0x11F80];
	v0 =	vadd.f32 v4, v0  }
0x1de: {  	v4 =	vld [tilespmem:s8+$0x13600]  }
0x1df: {  	v1 =	vadd.f32 v1, v5;
	v5 =	vld [tilespmem:s7+$0x12200];
	v0 =	vadd.f32 v3, v0  }
0x1e0: {  	v3 =	vld [tilespmem:s8+$0x13880]  }
0x1e1: {  	v1 =	vadd.f32 v6, v1;
	v6 =	vld [tilespmem:s7+$0x12480];
	v0 =	vadd.f32 v2, v0  }
0x1e2: {  	v2 =	vld [tilespmem:s8+$0x13B00]  }
0x1e3: {  	v1 =	vadd.f32 v7, v1;
	v7 =	vld [tilespmem:s7+$0x12700];
	v0 =	vadd.f32 v4, v0  }
0x1e4: {  	v4 =	vld [tilespmem:s8+$0x13D80]  }
0x1e5: {  	v8 =	vld [tilespmem:s8+$0x14000];
	v1 =	vadd.f32 v5, v1;
	v0 =	vadd.f32 v3, v0  }
0x1e6: {  	v5 =	vld [tilespmem:s7+$0x12980]  }
0x1e7: {  	v3 =	vld [tilespmem:s7+$0x12C00];
	v1 =	vadd.f32 v6, v1;
	v6 =	vadd.f32 v2, v0  }
0x1e8: {  	v2 =	vld [tilespmem:s8+$0x14A00]  }
0x1e9: {  	v0 =	vld [tilespmem:s7+$0x13100];
	v7 =	vadd.f32 v7, v1;
	v6 =	vadd.f32 v4, v6  }
0x1ea: {  	s9 =	simm.s32 $0x20;
	v4 =	vld [tilespmem:s7+$0x12E80]  }
0x1eb: {  	s10 =	simm.s32 $0xC0;
	v1 =	vld [tilespmem:s9+$0x11800];
	v5 =	vadd.f32 v5, v7;
	v6 =	vmul.f32 v8, v6  }
.LBB2_22:
0x1ec: {  	p0 =	sne.s32 s10, $0x9C0;
	v7 =	vld [tilespmem:s9+$0x11A80]  }
0x1ed: {  	v3 =	vadd.f32 v3, v5;
	v5 =	vld [tilespmem:s7+$0x13380];
	v2 =	vadd.f32 v2, v6  }
0x1ee: {  	v6 =	vld [tilespmem:s9+$0x11D00]  }
0x1ef: {  	v3 =	vadd.f32 v4, v3;
	v4 =	vld [tilespmem:s7+$0x13600];
	[tilespmem:s8+$0x14280] =	vst v2;
	s8 =	smov.u32 s7;
	s7 =	smov.u32 s9  }
0x1f0: {  	v2 =	vld [tilespmem:s7+$0x11F80]  }
0x1f1: {  	v1 =	vadd.f32 v7, v1;
	v0 =	vadd.f32 v0, v3;
	v3 =	vld [tilespmem:s8+$0x13880]  }
0x1f2: {  	v7 =	vld [tilespmem:s7+$0x12200]  }
0x1f3: {  	v1 =	vadd.f32 v6, v1;
	v0 =	vadd.f32 v5, v0;
	v5 =	vld [tilespmem:s8+$0x13B00]  }
0x1f4: {  	v6 =	vld [tilespmem:s7+$0x12480]  }
0x1f5: {  	v1 =	vadd.f32 v2, v1;
	v0 =	vadd.f32 v4, v0;
	v4 =	vld [tilespmem:s8+$0x13D80]  }
0x1f6: {  	v8 =	vld [tilespmem:s7+$0x12700]  }
0x1f7: {  	v1 =	vadd.f32 v7, v1;
	v0 =	vadd.f32 v3, v0;
	v7 =	vld [tilespmem:s8+$0x14000]  }
0x1f8: {  	v9 =	vld [tilespmem:s7+$0x12980]  }
.Ltmp11:
0x1f9: {  	v1 =	vadd.f32 v6, v1;
	v5 =	vadd.f32 v5, v0;
	v2 =	vld [tilespmem:s8+$0x14A00];
	(pc) =	sbr.rel @p0 .LBB2_22-.Ltmp11, $4  }
0x1fa: {  	v3 =	vld [tilespmem:s7+$0x12C00]  }
0x1fb: {  	v6 =	vadd.f32 v8, v1;
	v0 =	vld [tilespmem:s7+$0x13100];
	v8 =	vadd.f32 v4, v5  }
0x1fc: {  	s9 =	sshra.s32 s10, $0x2;
	v4 =	vld [tilespmem:s7+$0x12E80]  }
0x1fd: {  	s10 =	sadd.s32 $0x40, s10;
	v1 =	vld [tilespmem:s9+$0x11800];
	v5 =	vadd.f32 v9, v6;
	v6 =	vmul.f32 v7, v8  }
0x1fe: {  	v7 =	vld [tilespmem:s9+$0x11A80]  }
0x1ff: {  	v8 =	vld [tilespmem:s7+$0x13380];
	v2 =	vadd.f32 v2, v6  }
0x200: {  	v55 =	vld [tilespmem:s9+$0x11D00]  }
0x201: {  	v9 =	vld [tilespmem:s7+$0x13600];
	v3 =	vadd.f32 v3, v5;
	[tilespmem:s8+$0x14280] =	vst v2  }
0x202: {  	v2 =	vld [tilespmem:s9+$0x11F80]  }
0x203: {  	v3 =	vadd.f32 v4, v3;
	v1 =	vadd.f32 v7, v1  }
0x204: {  	v56 =	vld [tilespmem:s9+$0x12200]  }
0x205: {  	v57 =	vld [tilespmem:s9+$0x12480];
	v0 =	vadd.f32 v0, v3;
	v1 =	vadd.f32 v55, v1  }
0x206: {  	v3 =	vld [tilespmem:s7+$0x13880]  }
0x207: {  	v58 =	vld [tilespmem:s7+$0x13B00];
	v0 =	vadd.f32 v8, v0;
	v1 =	vadd.f32 v2, v1  }
0x208: {  	v2 =	vld [tilespmem:s9+$0x12700]  }
0x209: {  	v59 =	vld [tilespmem:s7+$0x13D80];
	v0 =	vadd.f32 v9, v0;
	v1 =	vadd.f32 v56, v1  }
0x20a: {  	v60 =	vld [tilespmem:s9+$0x12980]  }
0x20b: {  	v61 =	vld [tilespmem:s9+$0x12C00];
	v0 =	vadd.f32 v3, v0;
	v1 =	vadd.f32 v57, v1  }
0x20c: {  	v3 =	vld [tilespmem:s7+$0x14000]  }
0x20d: {  	v62 =	vld [tilespmem:s7+$0x14A00];
	v0 =	vadd.f32 v58, v0;
	v1 =	vadd.f32 v2, v1  }
0x20e: {  	v2 =	vld [tilespmem:s9+$0x12E80]  }
0x20f: {  	v0 =	vadd.f32 v59, v0;
	v1 =	vadd.f32 v60, v1  }
0x210: {  	v63 =	vld [tilespmem:s9+$0x13100]  }
0x211: {  	v0 =	vmul.f32 v3, v0;
	v1 =	vadd.f32 v61, v1  }
0x212: {  	v3 =	vld [tilespmem:s9+$0x13380]  }
0x213: {  	v0 =	vadd.f32 v62, v0;
	v1 =	vadd.f32 v2, v1  }
0x214: {  	v2 =	vld [tilespmem:s9+$0x13600]  }
0x215: {  	[tilespmem:s7+$0x14280] =	vst v0;
	v0 =	vadd.f32 v63, v1  }
0x216: {  	v1 =	vld [tilespmem:s9+$0x13880]  }
0x217: {  	v0 =	vadd.f32 v3, v0  }
0x218: {  	v3 =	vld [tilespmem:s9+$0x13B00]  }
0x219: {  	v0 =	vadd.f32 v2, v0  }
0x21a: {  	v2 =	vld [tilespmem:s9+$0x13D80]  }
0x21b: {  	v0 =	vadd.f32 v1, v0  }
0x21c: {  	v1 =	vld [tilespmem:s9+$0x14000]  }
0x21d: {  	v0 =	vadd.f32 v3, v0  }
0x21e: {  	v3 =	vld [tilespmem:s9+$0x14A00]  }
0x21f: {  	v0 =	vadd.f32 v2, v0;
	_ =	sdelay $0x1  }
0x220: {  	v0 =	vmul.f32 v1, v0;
	_ =	sdelay $0x1  }
0x221: {  	v0 =	vadd.f32 v3, v0;
	_ =	sdelay $0x1  }
0x222: {  	s29 =	simm.s32 $0x14280;
	s30 =	simm.s32 $0x1;
	[tilespmem:s9+$0x14280] =	vst v0  }
0x223: {  	[spmem:s6] =	stream.linear.scatter [tilespmem:s29], [sflag:$0x1], $0x280, $0x38;
	[tilespmem:$0x17980] =	vst v63  }
0x224: {  	_ =	swait.ge [sflag:s30], $0x280  }
0x225: {  	[sflag:s30] =	ssyncset.done $0x0  }
0x226: {  	[sflag:s30] =	ssyncadd.s32 $0xFFFFFD80  }
0x227: {  	s31 =	simm.s32 $0x0;
	[bflag:$0x0] =	sbarrier.arrive $0xFFFF  }
0x228: {  	[tilespmem:s31], [sflag:$0x1] =	stream.linear.gather [spmem:s3], $0x2800, $0x38;
	[tilespmem:$0x17980] =	vst v63  }
0x229: {  	_ =	swait.ge [sflag:s30], $0x2800  }
0x22a: {  	[sflag:s30] =	ssyncset.done $0x0  }
0x22b: {  	v0 =	vimm.f32 $0.0e+00;
	s6 =	simm.s32 $0x100;
	s3 =	simm.s32 $0x0;
	[sflag:s30] =	ssyncadd.s32 $0xFFFFD800  }
.LBB2_24:
0x22c: {  	p0 =	sne.s32 s6, $0x9F00;
	[tilespmem:s3+$0xC830] =	vst v0;
	s7 =	smov.u32 s6;
	s6 =	sadd.s32 $0x100, s6  }
.Ltmp12:
0x22d: {  	[tilespmem:s3+$0xC820] =	vst v0;
	(pc) =	sbr.rel @p0 .LBB2_24-.Ltmp12, $3  }
0x22e: {  	[tilespmem:s3+$0xC800] =	vst v0  }
0x22f: {  	[tilespmem:s3+$0xC810] =	vst v0;
	_ =	sdelay $0x1  }
0x230: {  	s3 =	sshra.s32 s7, $0x2  }
0x231: {  	[tilespmem:s3+$0xC830] =	vst v0  }
0x232: {  	[tilespmem:s3+$0xC820] =	vst v0  }
0x233: {  	[tilespmem:s3+$0xC800] =	vst v0  }
0x234: {  	[tilespmem:s3+$0xC810] =	vst v0;
	s3 =	simm.s32 $0x0;
	s6 =	simm.s32 $0xC800;
	s7 =	simm.s32 $0x0  }
.LBB2_26:
0x235: {  	s8 =	sshra.s32 s7, $0x2  }
0x236: {  	v0 =	vld [tilespmem:s8+$0x2800];
	_ =	sdelay $0x4  }
0x237: {  	v1 =	vld [tilespmem:s8+$0x7800];
	_ =	sdelay $0x2  }
0x238: {  	v0 =	vld.idx.msk [tilespmem:v0+s3+$0x0], $0xffff;
	_ =	sdelay $0x4  }
0x239: {  	[tilespmem:v1+s6+$0x0] =	vst.idx.add.f32.msk $0xffff, v0  }
0x23a: {  	v0 =	vld [tilespmem:s8+$0x2810];
	_ =	sdelay $0x4  }
0x23b: {  	v1 =	vld [tilespmem:s8+$0x7810];
	_ =	sdelay $0x2  }
0x23c: {  	v0 =	vld.idx.msk [tilespmem:v0+s3+$0x0], $0xffff;
	_ =	sdelay $0x4  }
0x23d: {  	[tilespmem:v1+s6+$0x0] =	vst.idx.add.f32.msk $0xffff, v0  }
0x23e: {  	v0 =	vld [tilespmem:s8+$0x2820];
	_ =	sdelay $0x4  }
0x23f: {  	v1 =	vld [tilespmem:s8+$0x7820];
	_ =	sdelay $0x2  }
0x240: {  	v0 =	vld.idx.msk [tilespmem:v0+s3+$0x0], $0xffff;
	_ =	sdelay $0x4  }
0x241: {  	[tilespmem:v1+s6+$0x0] =	vst.idx.add.f32.msk $0xffff, v0  }
0x242: {  	v0 =	vld [tilespmem:s8+$0x2830];
	_ =	sdelay $0x4  }
0x243: {  	v1 =	vld [tilespmem:s8+$0x7830];
	_ =	sdelay $0x2  }
0x244: {  	p0 =	sne.s32 s7, $0x13F00;
	v0 =	vld.idx.msk [tilespmem:v0+s3+$0x0], $0xffff  }
.Ltmp13:
0x245: {  	_ = 	snop;
	(pc) =	sbr.rel @p0 .LBB2_26-.Ltmp13, $2  }
0x246: {  	_ =	sdelay $0x2  }
0x247: {  	s7 =	sadd.s32 $0x100, s7;
	[tilespmem:v1+s6+$0x0] =	vst.idx.add.f32.msk $0xffff, v0  }
0x248: {  	s3 =	simm.s32 $0xC800;
	s30 =	simm.s32 $0x1  }
0x249: {  	[spmem:s5] =	stream.linear.scatter [tilespmem:s3], [sflag:$0x1], $0x2800, $0x38;
	[tilespmem:$0x17980] =	vst v63  }
0x24a: {  	_ =	swait.ge [sflag:s30], $0x2800  }
0x24b: {  	[sflag:s30] =	ssyncset.done $0x0  }
0x24c: {  	s31 =	simm.s32 $0x280;
	[sflag:s30] =	ssyncadd.s32 $0xFFFFD800  }
0x24d: {  	s6 =	simm.s32 $0x2800;
	s7 =	simm.s32 $0x11800;
	[bflag:$0x0] =	sbarrier.arrive $0xFFFF  }
0x24e: {  	[tilespmem:s7], [sflag:$0x1] =	stream.strided.gather [spmem:s4], $0x2800, s6, s31, $0x38;
	[tilespmem:$0x17980] =	vst v63  }
0x24f: {  	_ =	swait.ge [sflag:s30], $0x2800  }
0x250: {  	[sflag:s30] =	ssyncset.done $0x0  }
0x251: {  	s4 =	simm.s32 $0x0;
	[sflag:s30] =	ssyncadd.s32 $0xFFFFD800  }
0x252: {  	v0 =	vld [tilespmem:s4+$0x11800]  }
0x253: {  	v1 =	vld [tilespmem:s4+$0x11A80];
	_ =	sdelay $0x1  }
0x254: {  	v2 =	vld [tilespmem:s4+$0x11D00];
	_ =	sdelay $0x1  }
0x255: {  	v3 =	vld [tilespmem:s4+$0x11F80]  }
0x256: {  	v0 =	vadd.f32 v1, v0  }
0x257: {  	v1 =	vld [tilespmem:s4+$0x12200]  }
0x258: {  	v0 =	vadd.f32 v2, v0  }
0x259: {  	v2 =	vld [tilespmem:s4+$0x12480]  }
0x25a: {  	v0 =	vadd.f32 v3, v0  }
0x25b: {  	v3 =	vld [tilespmem:s4+$0x12700]  }
0x25c: {  	v0 =	vadd.f32 v1, v0  }
0x25d: {  	v1 =	vld [tilespmem:s4+$0x12980]  }
0x25e: {  	v0 =	vadd.f32 v2, v0  }
0x25f: {  	v2 =	vld [tilespmem:s4+$0x12C00]  }
0x260: {  	s3 =	simm.s32 $0x10;
	v4 =	vld [tilespmem:s4+$0x12E80];
	v0 =	vadd.f32 v3, v0  }
0x261: {  	v5 =	vld [tilespmem:s3+$0x11800]  }
0x262: {  	v3 =	vld [tilespmem:s4+$0x13100];
	v0 =	vadd.f32 v1, v0  }
0x263: {  	v1 =	vld [tilespmem:s3+$0x11A80]  }
0x264: {  	v6 =	vld [tilespmem:s3+$0x11D00];
	v0 =	vadd.f32 v2, v0  }
0x265: {  	v2 =	vld [tilespmem:s4+$0x13380]  }
0x266: {  	v7 =	vld [tilespmem:s3+$0x11F80];
	v0 =	vadd.f32 v4, v0  }
0x267: {  	v4 =	vld [tilespmem:s4+$0x13600]  }
0x268: {  	v1 =	vadd.f32 v1, v5;
	v5 =	vld [tilespmem:s3+$0x12200];
	v0 =	vadd.f32 v3, v0  }
0x269: {  	v3 =	vld [tilespmem:s4+$0x13880]  }
0x26a: {  	v1 =	vadd.f32 v6, v1;
	v6 =	vld [tilespmem:s3+$0x12480];
	v0 =	vadd.f32 v2, v0  }
0x26b: {  	v2 =	vld [tilespmem:s4+$0x13B00]  }
0x26c: {  	v1 =	vadd.f32 v7, v1;
	v7 =	vld [tilespmem:s3+$0x12700];
	v0 =	vadd.f32 v4, v0  }
0x26d: {  	v4 =	vld [tilespmem:s4+$0x13D80]  }
0x26e: {  	v8 =	vld [tilespmem:s4+$0x14000];
	v1 =	vadd.f32 v5, v1;
	v0 =	vadd.f32 v3, v0  }
0x26f: {  	v5 =	vld [tilespmem:s3+$0x12980]  }
0x270: {  	v3 =	vld [tilespmem:s3+$0x12C00];
	v1 =	vadd.f32 v6, v1;
	v6 =	vadd.f32 v2, v0  }
0x271: {  	v2 =	vld [tilespmem:s4+$0x14C80]  }
0x272: {  	v0 =	vld [tilespmem:s3+$0x13100];
	v7 =	vadd.f32 v7, v1;
	v6 =	vadd.f32 v4, v6  }
0x273: {  	s5 =	simm.s32 $0x20;
	v4 =	vld [tilespmem:s3+$0x12E80]  }
0x274: {  	s6 =	simm.s32 $0xC0;
	v1 =	vld [tilespmem:s5+$0x11800];
	v5 =	vadd.f32 v5, v7;
	v6 =	vmul.f32 v8, v6  }
.LBB2_28:
0x275: {  	p0 =	sne.s32 s6, $0x9C0;
	v7 =	vld [tilespmem:s5+$0x11A80]  }
0x276: {  	v3 =	vadd.f32 v3, v5;
	v5 =	vld [tilespmem:s3+$0x13380];
	v2 =	vadd.f32 v2, v6  }
0x277: {  	v6 =	vld [tilespmem:s5+$0x11D00]  }
0x278: {  	v3 =	vadd.f32 v4, v3;
	v4 =	vld [tilespmem:s3+$0x13600];
	[tilespmem:s4+$0x14280] =	vst v2;
	s4 =	smov.u32 s3;
	s3 =	smov.u32 s5  }
0x279: {  	v2 =	vld [tilespmem:s3+$0x11F80]  }
0x27a: {  	v1 =	vadd.f32 v7, v1;
	v0 =	vadd.f32 v0, v3;
	v3 =	vld [tilespmem:s4+$0x13880]  }
0x27b: {  	v7 =	vld [tilespmem:s3+$0x12200]  }
0x27c: {  	v1 =	vadd.f32 v6, v1;
	v0 =	vadd.f32 v5, v0;
	v5 =	vld [tilespmem:s4+$0x13B00]  }
0x27d: {  	v6 =	vld [tilespmem:s3+$0x12480]  }
0x27e: {  	v1 =	vadd.f32 v2, v1;
	v0 =	vadd.f32 v4, v0;
	v4 =	vld [tilespmem:s4+$0x13D80]  }
0x27f: {  	v8 =	vld [tilespmem:s3+$0x12700]  }
0x280: {  	v1 =	vadd.f32 v7, v1;
	v0 =	vadd.f32 v3, v0;
	v7 =	vld [tilespmem:s4+$0x14000]  }
0x281: {  	v9 =	vld [tilespmem:s3+$0x12980]  }
.Ltmp14:
0x282: {  	v1 =	vadd.f32 v6, v1;
	v5 =	vadd.f32 v5, v0;
	v2 =	vld [tilespmem:s4+$0x14C80];
	(pc) =	sbr.rel @p0 .LBB2_28-.Ltmp14, $4  }
0x283: {  	v3 =	vld [tilespmem:s3+$0x12C00]  }
0x284: {  	v6 =	vadd.f32 v8, v1;
	v0 =	vld [tilespmem:s3+$0x13100];
	v8 =	vadd.f32 v4, v5  }
0x285: {  	s5 =	sshra.s32 s6, $0x2;
	v4 =	vld [tilespmem:s3+$0x12E80]  }
0x286: {  	s6 =	sadd.s32 $0x40, s6;
	v1 =	vld [tilespmem:s5+$0x11800];
	v5 =	vadd.f32 v9, v6;
	v6 =	vmul.f32 v7, v8  }
0x287: {  	v7 =	vld [tilespmem:s5+$0x11A80]  }
0x288: {  	v8 =	vld [tilespmem:s3+$0x13380];
	v2 =	vadd.f32 v2, v6  }
0x289: {  	v43 =	vld [tilespmem:s5+$0x11D00]  }
0x28a: {  	v9 =	vld [tilespmem:s3+$0x13600];
	v3 =	vadd.f32 v3, v5;
	[tilespmem:s4+$0x14280] =	vst v2  }
0x28b: {  	v2 =	vld [tilespmem:s5+$0x11F80]  }
0x28c: {  	v3 =	vadd.f32 v4, v3;
	v1 =	vadd.f32 v7, v1  }
0x28d: {  	v44 =	vld [tilespmem:s5+$0x12200]  }
0x28e: {  	v45 =	vld [tilespmem:s3+$0x13880];
	v0 =	vadd.f32 v0, v3;
	v1 =	vadd.f32 v43, v1  }
0x28f: {  	v46 =	vld [tilespmem:s5+$0x12480]  }
0x290: {  	v47 =	vld [tilespmem:s3+$0x13B00];
	v0 =	vadd.f32 v8, v0;
	v1 =	vadd.f32 v2, v1  }
0x291: {  	v48 =	vld [tilespmem:s5+$0x12700]  }
0x292: {  	v49 =	vld [tilespmem:s3+$0x13D80];
	v0 =	vadd.f32 v9, v0;
	v1 =	vadd.f32 v44, v1  }
0x293: {  	v50 =	vld [tilespmem:s5+$0x12980]  }
0x294: {  	v51 =	vld [tilespmem:s3+$0x14000];
	v0 =	vadd.f32 v45, v0;
	v1 =	vadd.f32 v46, v1  }
0x295: {  	v52 =	vld [tilespmem:s5+$0x12C00]  }
0x296: {  	v53 =	vld [tilespmem:s3+$0x14C80];
	v0 =	vadd.f32 v47, v0;
	v1 =	vadd.f32 v48, v1  }
0x297: {  	v54 =	vld [tilespmem:s5+$0x12E80]  }
0x298: {  	v0 =	vadd.f32 v49, v0;
	v1 =	vadd.f32 v50, v1  }
0x299: {  	v55 =	vld [tilespmem:s5+$0x13100]  }
0x29a: {  	v0 =	vmul.f32 v51, v0;
	v1 =	vadd.f32 v52, v1  }
0x29b: {  	v56 =	vld [tilespmem:s5+$0x13380]  }
0x29c: {  	v0 =	vadd.f32 v53, v0;
	v1 =	vadd.f32 v54, v1  }
0x29d: {  	v57 =	vld [tilespmem:s5+$0x13600]  }
0x29e: {  	[tilespmem:s3+$0x14280] =	vst v0;
	v58 =	vadd.f32 v55, v1  }
0x29f: {  	v59 =	vld [tilespmem:s5+$0x13880]  }
0x2a0: {  	v0 =	vadd.f32 v56, v58  }
0x2a1: {  	v60 =	vld [tilespmem:s5+$0x13B00]  }
0x2a2: {  	v0 =	vadd.f32 v57, v0  }
0x2a3: {  	v61 =	vld [tilespmem:s5+$0x13D80]  }
0x2a4: {  	v0 =	vadd.f32 v59, v0  }
0x2a5: {  	v62 =	vld [tilespmem:s5+$0x14000]  }
0x2a6: {  	v0 =	vadd.f32 v60, v0  }
0x2a7: {  	v63 =	vld [tilespmem:s5+$0x14C80]  }
0x2a8: {  	v0 =	vadd.f32 v61, v0;
	_ =	sdelay $0x1  }
0x2a9: {  	v0 =	vmul.f32 v62, v0;
	_ =	sdelay $0x1  }
0x2aa: {  	v0 =	vadd.f32 v63, v0;
	_ =	sdelay $0x1  }
0x2ab: {  	s29 =	simm.s32 $0x0;
	s30 =	simm.s32 $0x14280;
	s31 =	simm.s32 $0x1;
	[tilespmem:s5+$0x14280] =	vst v0  }
0x2ac: {  	[hbm4b:s2+s29] =	stream.linear.scatter [tilespmem:s30], [sflag:$0x1], $0x280, $0x38;
	[tilespmem:$0x17980] =	vst v63  }
0x2ad: {  	_ =	swait.ge [sflag:s31], $0x280  }
0x2ae: {  	[sflag:s31] =	ssyncset.done $0x0  }
0x2af: {  	[sflag:s31] =	ssyncadd.s32 $0xFFFFFD80  }
.LBB2_30:
0x2b0: {  	_ =	sfence.sel $0x180000  }
0x2b1: {  	[bflag:$0x0] =	sbarrier.arrive $0xFFFF  }
0x2b2: {  	p0 =	sne.s32 s1, $0x0;
	_ =	strace $0x90000047  }
0x2b3: {  	s0 =	sadd.s32 @!p0 $0x100000, s0;
	[bflag:$0x2] =	sbarrier.arrive $0xFFFF  }
0x2b4: {  	[sflag:s0] =	ssyncadd.tile.s32 @!p0 $0x1;
	_ =	shalt  }
.Lfunc_end2:
_tile_overlayer_lowered:
.L_overlay_start_2:
0x2b5: {  	(tag) =	ssettag $0x2  }
0x2b6: {  	s0 =	rddreg [dreg:$0x0];
	s2 =	stileid.u32  }
0x2b7: {  	s1 =	rddreg [dreg:$0x1];
	p0 =	sne.s32 s2, $0x0  }
0x2b8: {  	s3 =	rddreg [dreg:$0x2];
	[bflag:$0x3] =	sbarrier.arrive $0xFFFF;
	s2 =	simm.s32 @!p0 $0x1C01  }
0x2b9: {  	[timem:s3], [sflag:s2] =	dma.local @!p0 [hbm:s0], s1  }
0x2ba: {  	s0 =	simm.s32 @!p0 $0x1  }
0x2bb: {  	_ =	swait.ge @!p0 [sflag:s0], s1  }
0x2bc: {  	s1 =	ssub.s32 @!p0 $0x0, s1;
	[sflag:s0] =	ssyncset.done @!p0 $0x0  }
0x2bd: {  	[sflag:s0] =	ssyncadd.s32 @!p0 s1  }
0x2be: {  	[bflag:$0x3] =	sbarrier.arrive $0xFFFF  }
0x2bf: {  	_ =	shalt  }

</sc_bundles>
